<compile_context>
chip_gen: v7x
topology: tpu7x:2x2x1
jax: 0.10.2.dev20260603
libtpu: 0.0.44.dev20260713+nightly
codegen_flags: <defaults>
</compile_context>

<pallas_src>
import functools

import jax
import jax.numpy as jnp
from jax import lax
from jax.experimental import pallas as pl
from jax.experimental.pallas import tpu as pltpu
from jax.experimental.pallas import tpu_sc as plsc

_VOCAB = 1_000_000
_EMB = 32
def _proj_body(tt_ref, w_ref, b_ref, out_ref):
    y = jnp.sum(tt_ref[...] * w_ref[...], axis=0, keepdims=True) + b_ref[0, 0]
    out_ref[...] = y.reshape(1, 1, _PROJ_COLS)


_PROJ_COLS = 65_536
_PROJ_GRID = 16


def _project(table, W, b):
    return pl.pallas_call(
        _proj_body,
        grid=(_PROJ_GRID,),
        in_specs=[
            pl.BlockSpec((_EMB, _PROJ_COLS), lambda i: (0, i)),
            pl.BlockSpec((_EMB, 1), lambda i: (0, 0)),
            pl.BlockSpec(memory_space=pltpu.SMEM),
        ],
        out_specs=pl.BlockSpec((1, 1, _PROJ_COLS), lambda i: (i, 0, 0)),
        out_shape=jax.ShapeDtypeStruct((_PROJ_GRID, 1, _PROJ_COLS), jnp.float32),
    )(table.T, W, b.reshape(1, 1))


@functools.cache
def _gather_fn(total):
    info = plsc.get_sparse_core_info()
    nc, ns = info.num_cores, info.num_subcores
    nw = nc * ns
    per_w = total // nw
    assert per_w * nw == total and per_w % 8 == 0
    chunk = 6_400
    nchunk = per_w // chunk
    assert nchunk * chunk == per_w

    mesh = plsc.VectorSubcoreMesh(core_axis_name="c", subcore_axis_name="s")

    @functools.partial(
        pl.kernel,
        out_type=jax.ShapeDtypeStruct((total,), jnp.float32),
        mesh=mesh,
        scratch_types=[
            pltpu.VMEM((chunk,), jnp.int32),
            pltpu.VMEM((chunk,), jnp.int32),
            pltpu.VMEM((chunk,), jnp.float32),
            pltpu.VMEM((chunk,), jnp.float32),
            pltpu.SemaphoreType.DMA,
            pltpu.SemaphoreType.DMA,
            pltpu.SemaphoreType.DMA,
            pltpu.SemaphoreType.DMA,
            pltpu.SemaphoreType.DMA,
            pltpu.SemaphoreType.DMA,
        ],
    )
    def body(tv_hbm, idx_hbm, out_hbm, i0, i1, r0, r1, si0, si1, sg0, sg1, so0, so1):
        idx_v = [i0, i1]
        rows_v = [r0, r1]
        s_i = [si0, si1]
        s_g = [sg0, sg1]
        s_o = [so0, so1]
        wid = lax.axis_index("s") * nc + lax.axis_index("c")
        base = wid * per_w

        def off(c):
            return base + c * chunk

        h_g = [None, None]
        h_o = [None, None]
        h_i = [None, None]
        h_i[0] = pltpu.async_copy(idx_hbm.at[pl.ds(off(0), chunk)], idx_v[0], s_i[0])
        for c in range(nchunk):
            s = c & 1
            if h_o[s] is not None:
                h_o[s].wait()
            h_i[s].wait()
            h_g[s] = pltpu.async_copy(tv_hbm.at[idx_v[s]], rows_v[s], s_g[s])
            if c >= 1:
                h_g[1 - s].wait()
                h_o[1 - s] = pltpu.async_copy(
                    rows_v[1 - s], out_hbm.at[pl.ds(off(c - 1), chunk)], s_o[1 - s]
                )
            if c + 1 < nchunk:
                h_i[1 - s] = pltpu.async_copy(
                    idx_hbm.at[pl.ds(off(c + 1), chunk)], idx_v[1 - s], s_i[1 - s]
                )
        sl = (nchunk - 1) & 1
        h_g[sl].wait()
        h_o[sl] = pltpu.async_copy(
            rows_v[sl], out_hbm.at[pl.ds(off(nchunk - 1), chunk)], s_o[sl]
        )
        h_o[1 - sl].wait()
        h_o[sl].wait()

    return body


def kernel(batch, table, W, b):
    B, L = batch.shape
    tv = _project(table, W, b).reshape(-1)
    flat = _gather_fn(B * L)(tv, batch.T.reshape(-1))
    return flat.reshape(L, B).T.reshape(B, L, 1)

# --- scband reference (transcript-rebuilt; emitter-appended) ---
"""Pipeline reference for scband-simple-network-32959579029590 (READ-ONLY COPY).

The authoritative reference and input builder live on the scoring server;
editing this copy changes nothing except your own understanding.
"""

import jax, jax.numpy as jnp
import numpy as np

VOCAB = 1000000
EMB = 32
B = 16384
L = 200

def setup_inputs(seed: int = 0) -> dict:
    key = jax.random.key(seed)
    k1, k2, k3, k4 = jax.random.split(key, 4)
    batch = jax.random.randint(k1, (B, L), 0, VOCAB, dtype=jnp.int64 if jax.config.jax_enable_x64 else jnp.int32)
    table = jax.random.normal(k2, (VOCAB, EMB), dtype=jnp.float32) * 0.02
    W = jax.random.normal(k3, (EMB, 1), dtype=jnp.float32) * (1.0 / np.sqrt(EMB))
    b = jax.random.normal(k4, (1,), dtype=jnp.float32) * 0.01
    return {"batch": batch, "table": table, "W": W, "b": b}

def reference(batch, table, W, b):
    # embedding lookup: gather rows from table
    emb = jnp.take(table, batch, axis=0)  # [B, L, EMB]
    # linear projection to 1 output
    out = emb @ W + b  # [B, L, 1]
    return out

if __name__ == "__main__":
    import jax
    _d = setup_inputs()
    print(jax.jit(kernel)(*tuple(_d.values())))

</pallas_src>

<mosaic_0001>
#map = affine_map<(d0, d1) -> (0)>
module attributes {stable_mosaic.version = 14 : i64} {
  func.func @body(%arg0: i32, %arg1: i32, %arg2: memref<1048576xf32, #tpu.memory_space<hbm>>, %arg3: memref<3276800xi32, #tpu.memory_space<hbm>>, %arg4: memref<3276800xf32, #tpu.memory_space<hbm>>, %arg5: memref<6400xi32, #tpu.memory_space<vmem>>, %arg6: memref<6400xi32, #tpu.memory_space<vmem>>, %arg7: memref<6400xf32, #tpu.memory_space<vmem>>, %arg8: memref<6400xf32, #tpu.memory_space<vmem>>, %arg9: memref<!tpu.dma_semaphore, #tpu.memory_space<semaphore_mem>>, %arg10: memref<!tpu.dma_semaphore, #tpu.memory_space<semaphore_mem>>, %arg11: memref<!tpu.dma_semaphore, #tpu.memory_space<semaphore_mem>>, %arg12: memref<!tpu.dma_semaphore, #tpu.memory_space<semaphore_mem>>, %arg13: memref<!tpu.dma_semaphore, #tpu.memory_space<semaphore_mem>>, %arg14: memref<!tpu.dma_semaphore, #tpu.memory_space<semaphore_mem>>) attributes {dimension_semantics = [#tpu.dimension_semantics<core_parallel>, #tpu.dimension_semantics<subcore_parallel>], iteration_bounds = array<i64: 2, 16>, scalar_prefetch = 0 : i64, scratch_operands = 10 : i64, tpu.core_type = #tpu.core_type<sc_vector_subcore>, window_params = [{transform_indices = #map}, {transform_indices = #map}, {transform_indices = #map}]} {
    %mul3A = arith.constant 2 : i32
    %mul3A_0 = arith.muli %arg1, %mul3A : i32
    %add3A = arith.addi %mul3A_0, %arg0 : i32
    %mul3A_1 = arith.constant 102400 : i32
    %mul3A_2 = arith.muli %add3A, %mul3A_1 : i32
    %add3A_3 = arith.constant 0 : i32
    %add3A_4 = arith.addi %mul3A_2, %add3A_3 : i32
    %dma_start3A = tpu.memref_slice %arg3[%add3A_4] : memref<3276800xi32, #tpu.memory_space<hbm>> -> memref<6400xi32, #tpu.memory_space<hbm>>
    %dma_start3A_5 = tpu.memref_slice %arg3[%add3A_4] : memref<3276800xi32, #tpu.memory_space<hbm>> -> memref<6400xi32, #tpu.memory_space<hbm>>
    tpu.enqueue_dma source(%dma_start3A_5 : memref<6400xi32, #tpu.memory_space<hbm>>) target(%arg5 : memref<6400xi32, #tpu.memory_space<vmem>>) target_semaphore(%arg9 : memref<!tpu.dma_semaphore, #tpu.memory_space<semaphore_mem>>)
    %dma_wait3A = tpu.memref_slice %arg3[%add3A_4] : memref<3276800xi32, #tpu.memory_space<hbm>> -> memref<6400xi32, #tpu.memory_space<hbm>>
    %dma_wait3A_6 = tpu.memref_slice %arg3[%add3A_4] : memref<3276800xi32, #tpu.memory_space<hbm>> -> memref<6400xi32, #tpu.memory_space<hbm>>
    tpu.wait_dma2 semaphore(%arg9 : memref<!tpu.dma_semaphore, #tpu.memory_space<semaphore_mem>>) src(%dma_wait3A_6 : memref<6400xi32, #tpu.memory_space<hbm>>) dst(%arg5 : memref<6400xi32, #tpu.memory_space<vmem>>)
    %dma_start3A_7 = arith.constant 0 : i32
    %dma_start3A_8 = tpu.memref_slice %arg2[%dma_start3A_7] : memref<1048576xf32, #tpu.memory_space<hbm>> -> memref<1048576xf32, #tpu.memory_space<hbm>>
    tpu.enqueue_indirect_dma source(%dma_start3A_8 : memref<1048576xf32, #tpu.memory_space<hbm>>) target(%arg7 : memref<6400xf32, #tpu.memory_space<vmem>>) offsets(%arg5 : memref<6400xi32, #tpu.memory_space<vmem>>) semaphore(%arg11 : memref<!tpu.dma_semaphore, #tpu.memory_space<semaphore_mem>>)
    %add3A_9 = arith.constant 6400 : i32
    %add3A_10 = arith.addi %mul3A_2, %add3A_9 : i32
    %dma_start3A_11 = tpu.memref_slice %arg3[%add3A_10] : memref<3276800xi32, #tpu.memory_space<hbm>> -> memref<6400xi32, #tpu.memory_space<hbm>>
    %dma_start3A_12 = tpu.memref_slice %arg3[%add3A_10] : memref<3276800xi32, #tpu.memory_space<hbm>> -> memref<6400xi32, #tpu.memory_space<hbm>>
    tpu.enqueue_dma source(%dma_start3A_12 : memref<6400xi32, #tpu.memory_space<hbm>>) target(%arg6 : memref<6400xi32, #tpu.memory_space<vmem>>) target_semaphore(%arg10 : memref<!tpu.dma_semaphore, #tpu.memory_space<semaphore_mem>>)
    %dma_wait3A_13 = tpu.memref_slice %arg3[%add3A_10] : memref<3276800xi32, #tpu.memory_space<hbm>> -> memref<6400xi32, #tpu.memory_space<hbm>>
    %dma_wait3A_14 = tpu.memref_slice %arg3[%add3A_10] : memref<3276800xi32, #tpu.memory_space<hbm>> -> memref<6400xi32, #tpu.memory_space<hbm>>
    tpu.wait_dma2 semaphore(%arg10 : memref<!tpu.dma_semaphore, #tpu.memory_space<semaphore_mem>>) src(%dma_wait3A_14 : memref<6400xi32, #tpu.memory_space<hbm>>) dst(%arg6 : memref<6400xi32, #tpu.memory_space<vmem>>)
    %dma_start3A_15 = arith.constant 0 : i32
    %dma_start3A_16 = tpu.memref_slice %arg2[%dma_start3A_15] : memref<1048576xf32, #tpu.memory_space<hbm>> -> memref<1048576xf32, #tpu.memory_space<hbm>>
    tpu.enqueue_indirect_dma source(%dma_start3A_16 : memref<1048576xf32, #tpu.memory_space<hbm>>) target(%arg8 : memref<6400xf32, #tpu.memory_space<vmem>>) offsets(%arg6 : memref<6400xi32, #tpu.memory_space<vmem>>) semaphore(%arg12 : memref<!tpu.dma_semaphore, #tpu.memory_space<semaphore_mem>>)
    %dma_wait3A_17 = arith.constant 0 : i32
    %dma_wait3A_18 = tpu.memref_slice %arg2[%dma_wait3A_17] : memref<1048576xf32, #tpu.memory_space<hbm>> -> memref<1048576xf32, #tpu.memory_space<hbm>>
    tpu.wait_indirect_dma semaphore(%arg11 : memref<!tpu.dma_semaphore, #tpu.memory_space<semaphore_mem>>) src(%dma_wait3A_18 : memref<1048576xf32, #tpu.memory_space<hbm>>) dst(%arg7 : memref<6400xf32, #tpu.memory_space<vmem>>)
    %add3A_19 = arith.constant 0 : i32
    %add3A_20 = arith.addi %mul3A_2, %add3A_19 : i32
    %dma_start3A_21 = tpu.memref_slice %arg4[%add3A_20] : memref<3276800xf32, #tpu.memory_space<hbm>> -> memref<6400xf32, #tpu.memory_space<hbm>>
    %dma_start3A_22 = tpu.memref_slice %arg4[%add3A_20] : memref<3276800xf32, #tpu.memory_space<hbm>> -> memref<6400xf32, #tpu.memory_space<hbm>>
    tpu.enqueue_dma source(%arg7 : memref<6400xf32, #tpu.memory_space<vmem>>) target(%dma_start3A_22 : memref<6400xf32, #tpu.memory_space<hbm>>) target_semaphore(%arg13 : memref<!tpu.dma_semaphore, #tpu.memory_space<semaphore_mem>>)
    %add3A_23 = arith.constant 12800 : i32
    %add3A_24 = arith.addi %mul3A_2, %add3A_23 : i32
    %dma_start3A_25 = tpu.memref_slice %arg3[%add3A_24] : memref<3276800xi32, #tpu.memory_space<hbm>> -> memref<6400xi32, #tpu.memory_space<hbm>>
    %dma_start3A_26 = tpu.memref_slice %arg3[%add3A_24] : memref<3276800xi32, #tpu.memory_space<hbm>> -> memref<6400xi32, #tpu.memory_space<hbm>>
    tpu.enqueue_dma source(%dma_start3A_26 : memref<6400xi32, #tpu.memory_space<hbm>>) target(%arg5 : memref<6400xi32, #tpu.memory_space<vmem>>) target_semaphore(%arg9 : memref<!tpu.dma_semaphore, #tpu.memory_space<semaphore_mem>>)
    %dma_wait3A_27 = tpu.memref_slice %arg4[%add3A_20] : memref<3276800xf32, #tpu.memory_space<hbm>> -> memref<6400xf32, #tpu.memory_space<hbm>>
    %dma_wait3A_28 = tpu.memref_slice %arg4[%add3A_20] : memref<3276800xf32, #tpu.memory_space<hbm>> -> memref<6400xf32, #tpu.memory_space<hbm>>
    tpu.wait_dma2 semaphore(%arg13 : memref<!tpu.dma_semaphore, #tpu.memory_space<semaphore_mem>>) src(%arg7 : memref<6400xf32, #tpu.memory_space<vmem>>) dst(%dma_wait3A_28 : memref<6400xf32, #tpu.memory_space<hbm>>)
    %dma_wait3A_29 = tpu.memref_slice %arg3[%add3A_24] : memref<3276800xi32, #tpu.memory_space<hbm>> -> memref<6400xi32, #tpu.memory_space<hbm>>
    %dma_wait3A_30 = tpu.memref_slice %arg3[%add3A_24] : memref<3276800xi32, #tpu.memory_space<hbm>> -> memref<6400xi32, #tpu.memory_space<hbm>>
    tpu.wait_dma2 semaphore(%arg9 : memref<!tpu.dma_semaphore, #tpu.memory_space<semaphore_mem>>) src(%dma_wait3A_30 : memref<6400xi32, #tpu.memory_space<hbm>>) dst(%arg5 : memref<6400xi32, #tpu.memory_space<vmem>>)
    %dma_start3A_31 = arith.constant 0 : i32
    %dma_start3A_32 = tpu.memref_slice %arg2[%dma_start3A_31] : memref<1048576xf32, #tpu.memory_space<hbm>> -> memref<1048576xf32, #tpu.memory_space<hbm>>
    tpu.enqueue_indirect_dma source(%dma_start3A_32 : memref<1048576xf32, #tpu.memory_space<hbm>>) target(%arg7 : memref<6400xf32, #tpu.memory_space<vmem>>) offsets(%arg5 : memref<6400xi32, #tpu.memory_space<vmem>>) semaphore(%arg11 : memref<!tpu.dma_semaphore, #tpu.memory_space<semaphore_mem>>)
    %dma_wait3A_33 = arith.constant 0 : i32
    %dma_wait3A_34 = tpu.memref_slice %arg2[%dma_wait3A_33] : memref<1048576xf32, #tpu.memory_space<hbm>> -> memref<1048576xf32, #tpu.memory_space<hbm>>
    tpu.wait_indirect_dma semaphore(%arg12 : memref<!tpu.dma_semaphore, #tpu.memory_space<semaphore_mem>>) src(%dma_wait3A_34 : memref<1048576xf32, #tpu.memory_space<hbm>>) dst(%arg8 : memref<6400xf32, #tpu.memory_space<vmem>>)
    %add3A_35 = arith.constant 6400 : i32
    %add3A_36 = arith.addi %mul3A_2, %add3A_35 : i32
    %dma_start3A_37 = tpu.memref_slice %arg4[%add3A_36] : memref<3276800xf32, #tpu.memory_space<hbm>> -> memref<6400xf32, #tpu.memory_space<hbm>>
    %dma_start3A_38 = tpu.memref_slice %arg4[%add3A_36] : memref<3276800xf32, #tpu.memory_space<hbm>> -> memref<6400xf32, #tpu.memory_space<hbm>>
    tpu.enqueue_dma source(%arg8 : memref<6400xf32, #tpu.memory_space<vmem>>) target(%dma_start3A_38 : memref<6400xf32, #tpu.memory_space<hbm>>) target_semaphore(%arg14 : memref<!tpu.dma_semaphore, #tpu.memory_space<semaphore_mem>>)
    %add3A_39 = arith.constant 19200 : i32
    %add3A_40 = arith.addi %mul3A_2, %add3A_39 : i32
    %dma_start3A_41 = tpu.memref_slice %arg3[%add3A_40] : memref<3276800xi32, #tpu.memory_space<hbm>> -> memref<6400xi32, #tpu.memory_space<hbm>>
    %dma_start3A_42 = tpu.memref_slice %arg3[%add3A_40] : memref<3276800xi32, #tpu.memory_space<hbm>> -> memref<6400xi32, #tpu.memory_space<hbm>>
    tpu.enqueue_dma source(%dma_start3A_42 : memref<6400xi32, #tpu.memory_space<hbm>>) target(%arg6 : memref<6400xi32, #tpu.memory_space<vmem>>) target_semaphore(%arg10 : memref<!tpu.dma_semaphore, #tpu.memory_space<semaphore_mem>>)
    %dma_wait3A_43 = tpu.memref_slice %arg4[%add3A_36] : memref<3276800xf32, #tpu.memory_space<hbm>> -> memref<6400xf32, #tpu.memory_space<hbm>>
    %dma_wait3A_44 = tpu.memref_slice %arg4[%add3A_36] : memref<3276800xf32, #tpu.memory_space<hbm>> -> memref<6400xf32, #tpu.memory_space<hbm>>
    tpu.wait_dma2 semaphore(%arg14 : memref<!tpu.dma_semaphore, #tpu.memory_space<semaphore_mem>>) src(%arg8 : memref<6400xf32, #tpu.memory_space<vmem>>) dst(%dma_wait3A_44 : memref<6400xf32, #tpu.memory_space<hbm>>)
    %dma_wait3A_45 = tpu.memref_slice %arg3[%add3A_40] : memref<3276800xi32, #tpu.memory_space<hbm>> -> memref<6400xi32, #tpu.memory_space<hbm>>
    %dma_wait3A_46 = tpu.memref_slice %arg3[%add3A_40] : memref<3276800xi32, #tpu.memory_space<hbm>> -> memref<6400xi32, #tpu.memory_space<hbm>>
    tpu.wait_dma2 semaphore(%arg10 : memref<!tpu.dma_semaphore, #tpu.memory_space<semaphore_mem>>) src(%dma_wait3A_46 : memref<6400xi32, #tpu.memory_space<hbm>>) dst(%arg6 : memref<6400xi32, #tpu.memory_space<vmem>>)
    %dma_start3A_47 = arith.constant 0 : i32
    %dma_start3A_48 = tpu.memref_slice %arg2[%dma_start3A_47] : memref<1048576xf32, #tpu.memory_space<hbm>> -> memref<1048576xf32, #tpu.memory_space<hbm>>
    tpu.enqueue_indirect_dma source(%dma_start3A_48 : memref<1048576xf32, #tpu.memory_space<hbm>>) target(%arg8 : memref<6400xf32, #tpu.memory_space<vmem>>) offsets(%arg6 : memref<6400xi32, #tpu.memory_space<vmem>>) semaphore(%arg12 : memref<!tpu.dma_semaphore, #tpu.memory_space<semaphore_mem>>)
    %dma_wait3A_49 = arith.constant 0 : i32
    %dma_wait3A_50 = tpu.memref_slice %arg2[%dma_wait3A_49] : memref<1048576xf32, #tpu.memory_space<hbm>> -> memref<1048576xf32, #tpu.memory_space<hbm>>
    tpu.wait_indirect_dma semaphore(%arg11 : memref<!tpu.dma_semaphore, #tpu.memory_space<semaphore_mem>>) src(%dma_wait3A_50 : memref<1048576xf32, #tpu.memory_space<hbm>>) dst(%arg7 : memref<6400xf32, #tpu.memory_space<vmem>>)
    %add3A_51 = arith.constant 12800 : i32
    %add3A_52 = arith.addi %mul3A_2, %add3A_51 : i32
    %dma_start3A_53 = tpu.memref_slice %arg4[%add3A_52] : memref<3276800xf32, #tpu.memory_space<hbm>> -> memref<6400xf32, #tpu.memory_space<hbm>>
    %dma_start3A_54 = tpu.memref_slice %arg4[%add3A_52] : memref<3276800xf32, #tpu.memory_space<hbm>> -> memref<6400xf32, #tpu.memory_space<hbm>>
    tpu.enqueue_dma source(%arg7 : memref<6400xf32, #tpu.memory_space<vmem>>) target(%dma_start3A_54 : memref<6400xf32, #tpu.memory_space<hbm>>) target_semaphore(%arg13 : memref<!tpu.dma_semaphore, #tpu.memory_space<semaphore_mem>>)
    %add3A_55 = arith.constant 25600 : i32
    %add3A_56 = arith.addi %mul3A_2, %add3A_55 : i32
    %dma_start3A_57 = tpu.memref_slice %arg3[%add3A_56] : memref<3276800xi32, #tpu.memory_space<hbm>> -> memref<6400xi32, #tpu.memory_space<hbm>>
    %dma_start3A_58 = tpu.memref_slice %arg3[%add3A_56] : memref<3276800xi32, #tpu.memory_space<hbm>> -> memref<6400xi32, #tpu.memory_space<hbm>>
    tpu.enqueue_dma source(%dma_start3A_58 : memref<6400xi32, #tpu.memory_space<hbm>>) target(%arg5 : memref<6400xi32, #tpu.memory_space<vmem>>) target_semaphore(%arg9 : memref<!tpu.dma_semaphore, #tpu.memory_space<semaphore_mem>>)
    %dma_wait3A_59 = tpu.memref_slice %arg4[%add3A_52] : memref<3276800xf32, #tpu.memory_space<hbm>> -> memref<6400xf32, #tpu.memory_space<hbm>>
    %dma_wait3A_60 = tpu.memref_slice %arg4[%add3A_52] : memref<3276800xf32, #tpu.memory_space<hbm>> -> memref<6400xf32, #tpu.memory_space<hbm>>
    tpu.wait_dma2 semaphore(%arg13 : memref<!tpu.dma_semaphore, #tpu.memory_space<semaphore_mem>>) src(%arg7 : memref<6400xf32, #tpu.memory_space<vmem>>) dst(%dma_wait3A_60 : memref<6400xf32, #tpu.memory_space<hbm>>)
    %dma_wait3A_61 = tpu.memref_slice %arg3[%add3A_56] : memref<3276800xi32, #tpu.memory_space<hbm>> -> memref<6400xi32, #tpu.memory_space<hbm>>
    %dma_wait3A_62 = tpu.memref_slice %arg3[%add3A_56] : memref<3276800xi32, #tpu.memory_space<hbm>> -> memref<6400xi32, #tpu.memory_space<hbm>>
    tpu.wait_dma2 semaphore(%arg9 : memref<!tpu.dma_semaphore, #tpu.memory_space<semaphore_mem>>) src(%dma_wait3A_62 : memref<6400xi32, #tpu.memory_space<hbm>>) dst(%arg5 : memref<6400xi32, #tpu.memory_space<vmem>>)
    %dma_start3A_63 = arith.constant 0 : i32
    %dma_start3A_64 = tpu.memref_slice %arg2[%dma_start3A_63] : memref<1048576xf32, #tpu.memory_space<hbm>> -> memref<1048576xf32, #tpu.memory_space<hbm>>
    tpu.enqueue_indirect_dma source(%dma_start3A_64 : memref<1048576xf32, #tpu.memory_space<hbm>>) target(%arg7 : memref<6400xf32, #tpu.memory_space<vmem>>) offsets(%arg5 : memref<6400xi32, #tpu.memory_space<vmem>>) semaphore(%arg11 : memref<!tpu.dma_semaphore, #tpu.memory_space<semaphore_mem>>)
    %dma_wait3A_65 = arith.constant 0 : i32
    %dma_wait3A_66 = tpu.memref_slice %arg2[%dma_wait3A_65] : memref<1048576xf32, #tpu.memory_space<hbm>> -> memref<1048576xf32, #tpu.memory_space<hbm>>
    tpu.wait_indirect_dma semaphore(%arg12 : memref<!tpu.dma_semaphore, #tpu.memory_space<semaphore_mem>>) src(%dma_wait3A_66 : memref<1048576xf32, #tpu.memory_space<hbm>>) dst(%arg8 : memref<6400xf32, #tpu.memory_space<vmem>>)
    %add3A_67 = arith.constant 19200 : i32
    %add3A_68 = arith.addi %mul3A_2, %add3A_67 : i32
    %dma_start3A_69 = tpu.memref_slice %arg4[%add3A_68] : memref<3276800xf32, #tpu.memory_space<hbm>> -> memref<6400xf32, #tpu.memory_space<hbm>>
    %dma_start3A_70 = tpu.memref_slice %arg4[%add3A_68] : memref<3276800xf32, #tpu.memory_space<hbm>> -> memref<6400xf32, #tpu.memory_space<hbm>>
    tpu.enqueue_dma source(%arg8 : memref<6400xf32, #tpu.memory_space<vmem>>) target(%dma_start3A_70 : memref<6400xf32, #tpu.memory_space<hbm>>) target_semaphore(%arg14 : memref<!tpu.dma_semaphore, #tpu.memory_space<semaphore_mem>>)
    %add3A_71 = arith.constant 32000 : i32
    %add3A_72 = arith.addi %mul3A_2, %add3A_71 : i32
    %dma_start3A_73 = tpu.memref_slice %arg3[%add3A_72] : memref<3276800xi32, #tpu.memory_space<hbm>> -> memref<6400xi32, #tpu.memory_space<hbm>>
    %dma_start3A_74 = tpu.memref_slice %arg3[%add3A_72] : memref<3276800xi32, #tpu.memory_space<hbm>> -> memref<6400xi32, #tpu.memory_space<hbm>>
    tpu.enqueue_dma source(%dma_start3A_74 : memref<6400xi32, #tpu.memory_space<hbm>>) target(%arg6 : memref<6400xi32, #tpu.memory_space<vmem>>) target_semaphore(%arg10 : memref<!tpu.dma_semaphore, #tpu.memory_space<semaphore_mem>>)
    %dma_wait3A_75 = tpu.memref_slice %arg4[%add3A_68] : memref<3276800xf32, #tpu.memory_space<hbm>> -> memref<6400xf32, #tpu.memory_space<hbm>>
    %dma_wait3A_76 = tpu.memref_slice %arg4[%add3A_68] : memref<3276800xf32, #tpu.memory_space<hbm>> -> memref<6400xf32, #tpu.memory_space<hbm>>
    tpu.wait_dma2 semaphore(%arg14 : memref<!tpu.dma_semaphore, #tpu.memory_space<semaphore_mem>>) src(%arg8 : memref<6400xf32, #tpu.memory_space<vmem>>) dst(%dma_wait3A_76 : memref<6400xf32, #tpu.memory_space<hbm>>)
    %dma_wait3A_77 = tpu.memref_slice %arg3[%add3A_72] : memref<3276800xi32, #tpu.memory_space<hbm>> -> memref<6400xi32, #tpu.memory_space<hbm>>
    %dma_wait3A_78 = tpu.memref_slice %arg3[%add3A_72] : memref<3276800xi32, #tpu.memory_space<hbm>> -> memref<6400xi32, #tpu.memory_space<hbm>>
    tpu.wait_dma2 semaphore(%arg10 : memref<!tpu.dma_semaphore, #tpu.memory_space<semaphore_mem>>) src(%dma_wait3A_78 : memref<6400xi32, #tpu.memory_space<hbm>>) dst(%arg6 : memref<6400xi32, #tpu.memory_space<vmem>>)
    %dma_start3A_79 = arith.constant 0 : i32
    %dma_start3A_80 = tpu.memref_slice %arg2[%dma_start3A_79] : memref<1048576xf32, #tpu.memory_space<hbm>> -> memref<1048576xf32, #tpu.memory_space<hbm>>
    tpu.enqueue_indirect_dma source(%dma_start3A_80 : memref<1048576xf32, #tpu.memory_space<hbm>>) target(%arg8 : memref<6400xf32, #tpu.memory_space<vmem>>) offsets(%arg6 : memref<6400xi32, #tpu.memory_space<vmem>>) semaphore(%arg12 : memref<!tpu.dma_semaphore, #tpu.memory_space<semaphore_mem>>)
    %dma_wait3A_81 = arith.constant 0 : i32
    %dma_wait3A_82 = tpu.memref_slice %arg2[%dma_wait3A_81] : memref<1048576xf32, #tpu.memory_space<hbm>> -> memref<1048576xf32, #tpu.memory_space<hbm>>
    tpu.wait_indirect_dma semaphore(%arg11 : memref<!tpu.dma_semaphore, #tpu.memory_space<semaphore_mem>>) src(%dma_wait3A_82 : memref<1048576xf32, #tpu.memory_space<hbm>>) dst(%arg7 : memref<6400xf32, #tpu.memory_space<vmem>>)
    %add3A_83 = arith.constant 25600 : i32
    %add3A_84 = arith.addi %mul3A_2, %add3A_83 : i32
    %dma_start3A_85 = tpu.memref_slice %arg4[%add3A_84] : memref<3276800xf32, #tpu.memory_space<hbm>> -> memref<6400xf32, #tpu.memory_space<hbm>>
    %dma_start3A_86 = tpu.memref_slice %arg4[%add3A_84] : memref<3276800xf32, #tpu.memory_space<hbm>> -> memref<6400xf32, #tpu.memory_space<hbm>>
    tpu.enqueue_dma source(%arg7 : memref<6400xf32, #tpu.memory_space<vmem>>) target(%dma_start3A_86 : memref<6400xf32, #tpu.memory_space<hbm>>) target_semaphore(%arg13 : memref<!tpu.dma_semaphore, #tpu.memory_space<semaphore_mem>>)
    %add3A_87 = arith.constant 38400 : i32
    %add3A_88 = arith.addi %mul3A_2, %add3A_87 : i32
    %dma_start3A_89 = tpu.memref_slice %arg3[%add3A_88] : memref<3276800xi32, #tpu.memory_space<hbm>> -> memref<6400xi32, #tpu.memory_space<hbm>>
    %dma_start3A_90 = tpu.memref_slice %arg3[%add3A_88] : memref<3276800xi32, #tpu.memory_space<hbm>> -> memref<6400xi32, #tpu.memory_space<hbm>>
    tpu.enqueue_dma source(%dma_start3A_90 : memref<6400xi32, #tpu.memory_space<hbm>>) target(%arg5 : memref<6400xi32, #tpu.memory_space<vmem>>) target_semaphore(%arg9 : memref<!tpu.dma_semaphore, #tpu.memory_space<semaphore_mem>>)
    %dma_wait3A_91 = tpu.memref_slice %arg4[%add3A_84] : memref<3276800xf32, #tpu.memory_space<hbm>> -> memref<6400xf32, #tpu.memory_space<hbm>>
    %dma_wait3A_92 = tpu.memref_slice %arg4[%add3A_84] : memref<3276800xf32, #tpu.memory_space<hbm>> -> memref<6400xf32, #tpu.memory_space<hbm>>
    tpu.wait_dma2 semaphore(%arg13 : memref<!tpu.dma_semaphore, #tpu.memory_space<semaphore_mem>>) src(%arg7 : memref<6400xf32, #tpu.memory_space<vmem>>) dst(%dma_wait3A_92 : memref<6400xf32, #tpu.memory_space<hbm>>)
    %dma_wait3A_93 = tpu.memref_slice %arg3[%add3A_88] : memref<3276800xi32, #tpu.memory_space<hbm>> -> memref<6400xi32, #tpu.memory_space<hbm>>
    %dma_wait3A_94 = tpu.memref_slice %arg3[%add3A_88] : memref<3276800xi32, #tpu.memory_space<hbm>> -> memref<6400xi32, #tpu.memory_space<hbm>>
    tpu.wait_dma2 semaphore(%arg9 : memref<!tpu.dma_semaphore, #tpu.memory_space<semaphore_mem>>) src(%dma_wait3A_94 : memref<6400xi32, #tpu.memory_space<hbm>>) dst(%arg5 : memref<6400xi32, #tpu.memory_space<vmem>>)
    %dma_start3A_95 = arith.constant 0 : i32
    %dma_start3A_96 = tpu.memref_slice %arg2[%dma_start3A_95] : memref<1048576xf32, #tpu.memory_space<hbm>> -> memref<1048576xf32, #tpu.memory_space<hbm>>
    tpu.enqueue_indirect_dma source(%dma_start3A_96 : memref<1048576xf32, #tpu.memory_space<hbm>>) target(%arg7 : memref<6400xf32, #tpu.memory_space<vmem>>) offsets(%arg5 : memref<6400xi32, #tpu.memory_space<vmem>>) semaphore(%arg11 : memref<!tpu.dma_semaphore, #tpu.memory_space<semaphore_mem>>)
    %dma_wait3A_97 = arith.constant 0 : i32
    %dma_wait3A_98 = tpu.memref_slice %arg2[%dma_wait3A_97] : memref<1048576xf32, #tpu.memory_space<hbm>> -> memref<1048576xf32, #tpu.memory_space<hbm>>
    tpu.wait_indirect_dma semaphore(%arg12 : memref<!tpu.dma_semaphore, #tpu.memory_space<semaphore_mem>>) src(%dma_wait3A_98 : memref<1048576xf32, #tpu.memory_space<hbm>>) dst(%arg8 : memref<6400xf32, #tpu.memory_space<vmem>>)
    %add3A_99 = arith.constant 32000 : i32
    %add3A_100 = arith.addi %mul3A_2, %add3A_99 : i32
    %dma_start3A_101 = tpu.memref_slice %arg4[%add3A_100] : memref<3276800xf32, #tpu.memory_space<hbm>> -> memref<6400xf32, #tpu.memory_space<hbm>>
    %dma_start3A_102 = tpu.memref_slice %arg4[%add3A_100] : memref<3276800xf32, #tpu.memory_space<hbm>> -> memref<6400xf32, #tpu.memory_space<hbm>>
    tpu.enqueue_dma source(%arg8 : memref<6400xf32, #tpu.memory_space<vmem>>) target(%dma_start3A_102 : memref<6400xf32, #tpu.memory_space<hbm>>) target_semaphore(%arg14 : memref<!tpu.dma_semaphore, #tpu.memory_space<semaphore_mem>>)
    %add3A_103 = arith.constant 44800 : i32
    %add3A_104 = arith.addi %mul3A_2, %add3A_103 : i32
    %dma_start3A_105 = tpu.memref_slice %arg3[%add3A_104] : memref<3276800xi32, #tpu.memory_space<hbm>> -> memref<6400xi32, #tpu.memory_space<hbm>>
    %dma_start3A_106 = tpu.memref_slice %arg3[%add3A_104] : memref<3276800xi32, #tpu.memory_space<hbm>> -> memref<6400xi32, #tpu.memory_space<hbm>>
    tpu.enqueue_dma source(%dma_start3A_106 : memref<6400xi32, #tpu.memory_space<hbm>>) target(%arg6 : memref<6400xi32, #tpu.memory_space<vmem>>) target_semaphore(%arg10 : memref<!tpu.dma_semaphore, #tpu.memory_space<semaphore_mem>>)
    %dma_wait3A_107 = tpu.memref_slice %arg4[%add3A_100] : memref<3276800xf32, #tpu.memory_space<hbm>> -> memref<6400xf32, #tpu.memory_space<hbm>>
    %dma_wait3A_108 = tpu.memref_slice %arg4[%add3A_100] : memref<3276800xf32, #tpu.memory_space<hbm>> -> memref<6400xf32, #tpu.memory_space<hbm>>
    tpu.wait_dma2 semaphore(%arg14 : memref<!tpu.dma_semaphore, #tpu.memory_space<semaphore_mem>>) src(%arg8 : memref<6400xf32, #tpu.memory_space<vmem>>) dst(%dma_wait3A_108 : memref<6400xf32, #tpu.memory_space<hbm>>)
    %dma_wait3A_109 = tpu.memref_slice %arg3[%add3A_104] : memref<3276800xi32, #tpu.memory_space<hbm>> -> memref<6400xi32, #tpu.memory_space<hbm>>
    %dma_wait3A_110 = tpu.memref_slice %arg3[%add3A_104] : memref<3276800xi32, #tpu.memory_space<hbm>> -> memref<6400xi32, #tpu.memory_space<hbm>>
    tpu.wait_dma2 semaphore(%arg10 : memref<!tpu.dma_semaphore, #tpu.memory_space<semaphore_mem>>) src(%dma_wait3A_110 : memref<6400xi32, #tpu.memory_space<hbm>>) dst(%arg6 : memref<6400xi32, #tpu.memory_space<vmem>>)
    %dma_start3A_111 = arith.constant 0 : i32
    %dma_start3A_112 = tpu.memref_slice %arg2[%dma_start3A_111] : memref<1048576xf32, #tpu.memory_space<hbm>> -> memref<1048576xf32, #tpu.memory_space<hbm>>
    tpu.enqueue_indirect_dma source(%dma_start3A_112 : memref<1048576xf32, #tpu.memory_space<hbm>>) target(%arg8 : memref<6400xf32, #tpu.memory_space<vmem>>) offsets(%arg6 : memref<6400xi32, #tpu.memory_space<vmem>>) semaphore(%arg12 : memref<!tpu.dma_semaphore, #tpu.memory_space<semaphore_mem>>)
    %dma_wait3A_113 = arith.constant 0 : i32
    %dma_wait3A_114 = tpu.memref_slice %arg2[%dma_wait3A_113] : memref<1048576xf32, #tpu.memory_space<hbm>> -> memref<1048576xf32, #tpu.memory_space<hbm>>
    tpu.wait_indirect_dma semaphore(%arg11 : memref<!tpu.dma_semaphore, #tpu.memory_space<semaphore_mem>>) src(%dma_wait3A_114 : memref<1048576xf32, #tpu.memory_space<hbm>>) dst(%arg7 : memref<6400xf32, #tpu.memory_space<vmem>>)
    %add3A_115 = arith.constant 38400 : i32
    %add3A_116 = arith.addi %mul3A_2, %add3A_115 : i32
    %dma_start3A_117 = tpu.memref_slice %arg4[%add3A_116] : memref<3276800xf32, #tpu.memory_space<hbm>> -> memref<6400xf32, #tpu.memory_space<hbm>>
    %dma_start3A_118 = tpu.memref_slice %arg4[%add3A_116] : memref<3276800xf32, #tpu.memory_space<hbm>> -> memref<6400xf32, #tpu.memory_space<hbm>>
    tpu.enqueue_dma source(%arg7 : memref<6400xf32, #tpu.memory_space<vmem>>) target(%dma_start3A_118 : memref<6400xf32, #tpu.memory_space<hbm>>) target_semaphore(%arg13 : memref<!tpu.dma_semaphore, #tpu.memory_space<semaphore_mem>>)
    %add3A_119 = arith.constant 51200 : i32
    %add3A_120 = arith.addi %mul3A_2, %add3A_119 : i32
    %dma_start3A_121 = tpu.memref_slice %arg3[%add3A_120] : memref<3276800xi32, #tpu.memory_space<hbm>> -> memref<6400xi32, #tpu.memory_space<hbm>>
    %dma_start3A_122 = tpu.memref_slice %arg3[%add3A_120] : memref<3276800xi32, #tpu.memory_space<hbm>> -> memref<6400xi32, #tpu.memory_space<hbm>>
    tpu.enqueue_dma source(%dma_start3A_122 : memref<6400xi32, #tpu.memory_space<hbm>>) target(%arg5 : memref<6400xi32, #tpu.memory_space<vmem>>) target_semaphore(%arg9 : memref<!tpu.dma_semaphore, #tpu.memory_space<semaphore_mem>>)
    %dma_wait3A_123 = tpu.memref_slice %arg4[%add3A_116] : memref<3276800xf32, #tpu.memory_space<hbm>> -> memref<6400xf32, #tpu.memory_space<hbm>>
    %dma_wait3A_124 = tpu.memref_slice %arg4[%add3A_116] : memref<3276800xf32, #tpu.memory_space<hbm>> -> memref<6400xf32, #tpu.memory_space<hbm>>
    tpu.wait_dma2 semaphore(%arg13 : memref<!tpu.dma_semaphore, #tpu.memory_space<semaphore_mem>>) src(%arg7 : memref<6400xf32, #tpu.memory_space<vmem>>) dst(%dma_wait3A_124 : memref<6400xf32, #tpu.memory_space<hbm>>)
    %dma_wait3A_125 = tpu.memref_slice %arg3[%add3A_120] : memref<3276800xi32, #tpu.memory_space<hbm>> -> memref<6400xi32, #tpu.memory_space<hbm>>
    %dma_wait3A_126 = tpu.memref_slice %arg3[%add3A_120] : memref<3276800xi32, #tpu.memory_space<hbm>> -> memref<6400xi32, #tpu.memory_space<hbm>>
    tpu.wait_dma2 semaphore(%arg9 : memref<!tpu.dma_semaphore, #tpu.memory_space<semaphore_mem>>) src(%dma_wait3A_126 : memref<6400xi32, #tpu.memory_space<hbm>>) dst(%arg5 : memref<6400xi32, #tpu.memory_space<vmem>>)
    %dma_start3A_127 = arith.constant 0 : i32
    %dma_start3A_128 = tpu.memref_slice %arg2[%dma_start3A_127] : memref<1048576xf32, #tpu.memory_space<hbm>> -> memref<1048576xf32, #tpu.memory_space<hbm>>
    tpu.enqueue_indirect_dma source(%dma_start3A_128 : memref<1048576xf32, #tpu.memory_space<hbm>>) target(%arg7 : memref<6400xf32, #tpu.memory_space<vmem>>) offsets(%arg5 : memref<6400xi32, #tpu.memory_space<vmem>>) semaphore(%arg11 : memref<!tpu.dma_semaphore, #tpu.memory_space<semaphore_mem>>)
    %dma_wait3A_129 = arith.constant 0 : i32
    %dma_wait3A_130 = tpu.memref_slice %arg2[%dma_wait3A_129] : memref<1048576xf32, #tpu.memory_space<hbm>> -> memref<1048576xf32, #tpu.memory_space<hbm>>
    tpu.wait_indirect_dma semaphore(%arg12 : memref<!tpu.dma_semaphore, #tpu.memory_space<semaphore_mem>>) src(%dma_wait3A_130 : memref<1048576xf32, #tpu.memory_space<hbm>>) dst(%arg8 : memref<6400xf32, #tpu.memory_space<vmem>>)
    %add3A_131 = arith.constant 44800 : i32
    %add3A_132 = arith.addi %mul3A_2, %add3A_131 : i32
    %dma_start3A_133 = tpu.memref_slice %arg4[%add3A_132] : memref<3276800xf32, #tpu.memory_space<hbm>> -> memref<6400xf32, #tpu.memory_space<hbm>>
    %dma_start3A_134 = tpu.memref_slice %arg4[%add3A_132] : memref<3276800xf32, #tpu.memory_space<hbm>> -> memref<6400xf32, #tpu.memory_space<hbm>>
    tpu.enqueue_dma source(%arg8 : memref<6400xf32, #tpu.memory_space<vmem>>) target(%dma_start3A_134 : memref<6400xf32, #tpu.memory_space<hbm>>) target_semaphore(%arg14 : memref<!tpu.dma_semaphore, #tpu.memory_space<semaphore_mem>>)
    %add3A_135 = arith.constant 57600 : i32
    %add3A_136 = arith.addi %mul3A_2, %add3A_135 : i32
    %dma_start3A_137 = tpu.memref_slice %arg3[%add3A_136] : memref<3276800xi32, #tpu.memory_space<hbm>> -> memref<6400xi32, #tpu.memory_space<hbm>>
    %dma_start3A_138 = tpu.memref_slice %arg3[%add3A_136] : memref<3276800xi32, #tpu.memory_space<hbm>> -> memref<6400xi32, #tpu.memory_space<hbm>>
    tpu.enqueue_dma source(%dma_start3A_138 : memref<6400xi32, #tpu.memory_space<hbm>>) target(%arg6 : memref<6400xi32, #tpu.memory_space<vmem>>) target_semaphore(%arg10 : memref<!tpu.dma_semaphore, #tpu.memory_space<semaphore_mem>>)
    %dma_wait3A_139 = tpu.memref_slice %arg4[%add3A_132] : memref<3276800xf32, #tpu.memory_space<hbm>> -> memref<6400xf32, #tpu.memory_space<hbm>>
    %dma_wait3A_140 = tpu.memref_slice %arg4[%add3A_132] : memref<3276800xf32, #tpu.memory_space<hbm>> -> memref<6400xf32, #tpu.memory_space<hbm>>
    tpu.wait_dma2 semaphore(%arg14 : memref<!tpu.dma_semaphore, #tpu.memory_space<semaphore_mem>>) src(%arg8 : memref<6400xf32, #tpu.memory_space<vmem>>) dst(%dma_wait3A_140 : memref<6400xf32, #tpu.memory_space<hbm>>)
    %dma_wait3A_141 = tpu.memref_slice %arg3[%add3A_136] : memref<3276800xi32, #tpu.memory_space<hbm>> -> memref<6400xi32, #tpu.memory_space<hbm>>
    %dma_wait3A_142 = tpu.memref_slice %arg3[%add3A_136] : memref<3276800xi32, #tpu.memory_space<hbm>> -> memref<6400xi32, #tpu.memory_space<hbm>>
    tpu.wait_dma2 semaphore(%arg10 : memref<!tpu.dma_semaphore, #tpu.memory_space<semaphore_mem>>) src(%dma_wait3A_142 : memref<6400xi32, #tpu.memory_space<hbm>>) dst(%arg6 : memref<6400xi32, #tpu.memory_space<vmem>>)
    %dma_start3A_143 = arith.constant 0 : i32
    %dma_start3A_144 = tpu.memref_slice %arg2[%dma_start3A_143] : memref<1048576xf32, #tpu.memory_space<hbm>> -> memref<1048576xf32, #tpu.memory_space<hbm>>
    tpu.enqueue_indirect_dma source(%dma_start3A_144 : memref<1048576xf32, #tpu.memory_space<hbm>>) target(%arg8 : memref<6400xf32, #tpu.memory_space<vmem>>) offsets(%arg6 : memref<6400xi32, #tpu.memory_space<vmem>>) semaphore(%arg12 : memref<!tpu.dma_semaphore, #tpu.memory_space<semaphore_mem>>)
    %dma_wait3A_145 = arith.constant 0 : i32
    %dma_wait3A_146 = tpu.memref_slice %arg2[%dma_wait3A_145] : memref<1048576xf32, #tpu.memory_space<hbm>> -> memref<1048576xf32, #tpu.memory_space<hbm>>
    tpu.wait_indirect_dma semaphore(%arg11 : memref<!tpu.dma_semaphore, #tpu.memory_space<semaphore_mem>>) src(%dma_wait3A_146 : memref<1048576xf32, #tpu.memory_space<hbm>>) dst(%arg7 : memref<6400xf32, #tpu.memory_space<vmem>>)
    %add3A_147 = arith.constant 51200 : i32
    %add3A_148 = arith.addi %mul3A_2, %add3A_147 : i32
    %dma_start3A_149 = tpu.memref_slice %arg4[%add3A_148] : memref<3276800xf32, #tpu.memory_space<hbm>> -> memref<6400xf32, #tpu.memory_space<hbm>>
    %dma_start3A_150 = tpu.memref_slice %arg4[%add3A_148] : memref<3276800xf32, #tpu.memory_space<hbm>> -> memref<6400xf32, #tpu.memory_space<hbm>>
    tpu.enqueue_dma source(%arg7 : memref<6400xf32, #tpu.memory_space<vmem>>) target(%dma_start3A_150 : memref<6400xf32, #tpu.memory_space<hbm>>) target_semaphore(%arg13 : memref<!tpu.dma_semaphore, #tpu.memory_space<semaphore_mem>>)
    %add3A_151 = arith.constant 64000 : i32
    %add3A_152 = arith.addi %mul3A_2, %add3A_151 : i32
    %dma_start3A_153 = tpu.memref_slice %arg3[%add3A_152] : memref<3276800xi32, #tpu.memory_space<hbm>> -> memref<6400xi32, #tpu.memory_space<hbm>>
    %dma_start3A_154 = tpu.memref_slice %arg3[%add3A_152] : memref<3276800xi32, #tpu.memory_space<hbm>> -> memref<6400xi32, #tpu.memory_space<hbm>>
    tpu.enqueue_dma source(%dma_start3A_154 : memref<6400xi32, #tpu.memory_space<hbm>>) target(%arg5 : memref<6400xi32, #tpu.memory_space<vmem>>) target_semaphore(%arg9 : memref<!tpu.dma_semaphore, #tpu.memory_space<semaphore_mem>>)
    %dma_wait3A_155 = tpu.memref_slice %arg4[%add3A_148] : memref<3276800xf32, #tpu.memory_space<hbm>> -> memref<6400xf32, #tpu.memory_space<hbm>>
    %dma_wait3A_156 = tpu.memref_slice %arg4[%add3A_148] : memref<3276800xf32, #tpu.memory_space<hbm>> -> memref<6400xf32, #tpu.memory_space<hbm>>
    tpu.wait_dma2 semaphore(%arg13 : memref<!tpu.dma_semaphore, #tpu.memory_space<semaphore_mem>>) src(%arg7 : memref<6400xf32, #tpu.memory_space<vmem>>) dst(%dma_wait3A_156 : memref<6400xf32, #tpu.memory_space<hbm>>)
    %dma_wait3A_157 = tpu.memref_slice %arg3[%add3A_152] : memref<3276800xi32, #tpu.memory_space<hbm>> -> memref<6400xi32, #tpu.memory_space<hbm>>
    %dma_wait3A_158 = tpu.memref_slice %arg3[%add3A_152] : memref<3276800xi32, #tpu.memory_space<hbm>> -> memref<6400xi32, #tpu.memory_space<hbm>>
    tpu.wait_dma2 semaphore(%arg9 : memref<!tpu.dma_semaphore, #tpu.memory_space<semaphore_mem>>) src(%dma_wait3A_158 : memref<6400xi32, #tpu.memory_space<hbm>>) dst(%arg5 : memref<6400xi32, #tpu.memory_space<vmem>>)
    %dma_start3A_159 = arith.constant 0 : i32
    %dma_start3A_160 = tpu.memref_slice %arg2[%dma_start3A_159] : memref<1048576xf32, #tpu.memory_space<hbm>> -> memref<1048576xf32, #tpu.memory_space<hbm>>
    tpu.enqueue_indirect_dma source(%dma_start3A_160 : memref<1048576xf32, #tpu.memory_space<hbm>>) target(%arg7 : memref<6400xf32, #tpu.memory_space<vmem>>) offsets(%arg5 : memref<6400xi32, #tpu.memory_space<vmem>>) semaphore(%arg11 : memref<!tpu.dma_semaphore, #tpu.memory_space<semaphore_mem>>)
    %dma_wait3A_161 = arith.constant 0 : i32
    %dma_wait3A_162 = tpu.memref_slice %arg2[%dma_wait3A_161] : memref<1048576xf32, #tpu.memory_space<hbm>> -> memref<1048576xf32, #tpu.memory_space<hbm>>
    tpu.wait_indirect_dma semaphore(%arg12 : memref<!tpu.dma_semaphore, #tpu.memory_space<semaphore_mem>>) src(%dma_wait3A_162 : memref<1048576xf32, #tpu.memory_space<hbm>>) dst(%arg8 : memref<6400xf32, #tpu.memory_space<vmem>>)
    %add3A_163 = arith.constant 57600 : i32
    %add3A_164 = arith.addi %mul3A_2, %add3A_163 : i32
    %dma_start3A_165 = tpu.memref_slice %arg4[%add3A_164] : memref<3276800xf32, #tpu.memory_space<hbm>> -> memref<6400xf32, #tpu.memory_space<hbm>>
    %dma_start3A_166 = tpu.memref_slice %arg4[%add3A_164] : memref<3276800xf32, #tpu.memory_space<hbm>> -> memref<6400xf32, #tpu.memory_space<hbm>>
    tpu.enqueue_dma source(%arg8 : memref<6400xf32, #tpu.memory_space<vmem>>) target(%dma_start3A_166 : memref<6400xf32, #tpu.memory_space<hbm>>) target_semaphore(%arg14 : memref<!tpu.dma_semaphore, #tpu.memory_space<semaphore_mem>>)
    %add3A_167 = arith.constant 70400 : i32
    %add3A_168 = arith.addi %mul3A_2, %add3A_167 : i32
    %dma_start3A_169 = tpu.memref_slice %arg3[%add3A_168] : memref<3276800xi32, #tpu.memory_space<hbm>> -> memref<6400xi32, #tpu.memory_space<hbm>>
    %dma_start3A_170 = tpu.memref_slice %arg3[%add3A_168] : memref<3276800xi32, #tpu.memory_space<hbm>> -> memref<6400xi32, #tpu.memory_space<hbm>>
    tpu.enqueue_dma source(%dma_start3A_170 : memref<6400xi32, #tpu.memory_space<hbm>>) target(%arg6 : memref<6400xi32, #tpu.memory_space<vmem>>) target_semaphore(%arg10 : memref<!tpu.dma_semaphore, #tpu.memory_space<semaphore_mem>>)
    %dma_wait3A_171 = tpu.memref_slice %arg4[%add3A_164] : memref<3276800xf32, #tpu.memory_space<hbm>> -> memref<6400xf32, #tpu.memory_space<hbm>>
    %dma_wait3A_172 = tpu.memref_slice %arg4[%add3A_164] : memref<3276800xf32, #tpu.memory_space<hbm>> -> memref<6400xf32, #tpu.memory_space<hbm>>
    tpu.wait_dma2 semaphore(%arg14 : memref<!tpu.dma_semaphore, #tpu.memory_space<semaphore_mem>>) src(%arg8 : memref<6400xf32, #tpu.memory_space<vmem>>) dst(%dma_wait3A_172 : memref<6400xf32, #tpu.memory_space<hbm>>)
    %dma_wait3A_173 = tpu.memref_slice %arg3[%add3A_168] : memref<3276800xi32, #tpu.memory_space<hbm>> -> memref<6400xi32, #tpu.memory_space<hbm>>
    %dma_wait3A_174 = tpu.memref_slice %arg3[%add3A_168] : memref<3276800xi32, #tpu.memory_space<hbm>> -> memref<6400xi32, #tpu.memory_space<hbm>>
    tpu.wait_dma2 semaphore(%arg10 : memref<!tpu.dma_semaphore, #tpu.memory_space<semaphore_mem>>) src(%dma_wait3A_174 : memref<6400xi32, #tpu.memory_space<hbm>>) dst(%arg6 : memref<6400xi32, #tpu.memory_space<vmem>>)
    %dma_start3A_175 = arith.constant 0 : i32
    %dma_start3A_176 = tpu.memref_slice %arg2[%dma_start3A_175] : memref<1048576xf32, #tpu.memory_space<hbm>> -> memref<1048576xf32, #tpu.memory_space<hbm>>
    tpu.enqueue_indirect_dma source(%dma_start3A_176 : memref<1048576xf32, #tpu.memory_space<hbm>>) target(%arg8 : memref<6400xf32, #tpu.memory_space<vmem>>) offsets(%arg6 : memref<6400xi32, #tpu.memory_space<vmem>>) semaphore(%arg12 : memref<!tpu.dma_semaphore, #tpu.memory_space<semaphore_mem>>)
    %dma_wait3A_177 = arith.constant 0 : i32
    %dma_wait3A_178 = tpu.memref_slice %arg2[%dma_wait3A_177] : memref<1048576xf32, #tpu.memory_space<hbm>> -> memref<1048576xf32, #tpu.memory_space<hbm>>
    tpu.wait_indirect_dma semaphore(%arg11 : memref<!tpu.dma_semaphore, #tpu.memory_space<semaphore_mem>>) src(%dma_wait3A_178 : memref<1048576xf32, #tpu.memory_space<hbm>>) dst(%arg7 : memref<6400xf32, #tpu.memory_space<vmem>>)
    %add3A_179 = arith.constant 64000 : i32
    %add3A_180 = arith.addi %mul3A_2, %add3A_179 : i32
    %dma_start3A_181 = tpu.memref_slice %arg4[%add3A_180] : memref<3276800xf32, #tpu.memory_space<hbm>> -> memref<6400xf32, #tpu.memory_space<hbm>>
    %dma_start3A_182 = tpu.memref_slice %arg4[%add3A_180] : memref<3276800xf32, #tpu.memory_space<hbm>> -> memref<6400xf32, #tpu.memory_space<hbm>>
    tpu.enqueue_dma source(%arg7 : memref<6400xf32, #tpu.memory_space<vmem>>) target(%dma_start3A_182 : memref<6400xf32, #tpu.memory_space<hbm>>) target_semaphore(%arg13 : memref<!tpu.dma_semaphore, #tpu.memory_space<semaphore_mem>>)
    %add3A_183 = arith.constant 76800 : i32
    %add3A_184 = arith.addi %mul3A_2, %add3A_183 : i32
    %dma_start3A_185 = tpu.memref_slice %arg3[%add3A_184] : memref<3276800xi32, #tpu.memory_space<hbm>> -> memref<6400xi32, #tpu.memory_space<hbm>>
    %dma_start3A_186 = tpu.memref_slice %arg3[%add3A_184] : memref<3276800xi32, #tpu.memory_space<hbm>> -> memref<6400xi32, #tpu.memory_space<hbm>>
    tpu.enqueue_dma source(%dma_start3A_186 : memref<6400xi32, #tpu.memory_space<hbm>>) target(%arg5 : memref<6400xi32, #tpu.memory_space<vmem>>) target_semaphore(%arg9 : memref<!tpu.dma_semaphore, #tpu.memory_space<semaphore_mem>>)
    %dma_wait3A_187 = tpu.memref_slice %arg4[%add3A_180] : memref<3276800xf32, #tpu.memory_space<hbm>> -> memref<6400xf32, #tpu.memory_space<hbm>>
    %dma_wait3A_188 = tpu.memref_slice %arg4[%add3A_180] : memref<3276800xf32, #tpu.memory_space<hbm>> -> memref<6400xf32, #tpu.memory_space<hbm>>
    tpu.wait_dma2 semaphore(%arg13 : memref<!tpu.dma_semaphore, #tpu.memory_space<semaphore_mem>>) src(%arg7 : memref<6400xf32, #tpu.memory_space<vmem>>) dst(%dma_wait3A_188 : memref<6400xf32, #tpu.memory_space<hbm>>)
    %dma_wait3A_189 = tpu.memref_slice %arg3[%add3A_184] : memref<3276800xi32, #tpu.memory_space<hbm>> -> memref<6400xi32, #tpu.memory_space<hbm>>
    %dma_wait3A_190 = tpu.memref_slice %arg3[%add3A_184] : memref<3276800xi32, #tpu.memory_space<hbm>> -> memref<6400xi32, #tpu.memory_space<hbm>>
    tpu.wait_dma2 semaphore(%arg9 : memref<!tpu.dma_semaphore, #tpu.memory_space<semaphore_mem>>) src(%dma_wait3A_190 : memref<6400xi32, #tpu.memory_space<hbm>>) dst(%arg5 : memref<6400xi32, #tpu.memory_space<vmem>>)
    %dma_start3A_191 = arith.constant 0 : i32
    %dma_start3A_192 = tpu.memref_slice %arg2[%dma_start3A_191] : memref<1048576xf32, #tpu.memory_space<hbm>> -> memref<1048576xf32, #tpu.memory_space<hbm>>
    tpu.enqueue_indirect_dma source(%dma_start3A_192 : memref<1048576xf32, #tpu.memory_space<hbm>>) target(%arg7 : memref<6400xf32, #tpu.memory_space<vmem>>) offsets(%arg5 : memref<6400xi32, #tpu.memory_space<vmem>>) semaphore(%arg11 : memref<!tpu.dma_semaphore, #tpu.memory_space<semaphore_mem>>)
    %dma_wait3A_193 = arith.constant 0 : i32
    %dma_wait3A_194 = tpu.memref_slice %arg2[%dma_wait3A_193] : memref<1048576xf32, #tpu.memory_space<hbm>> -> memref<1048576xf32, #tpu.memory_space<hbm>>
    tpu.wait_indirect_dma semaphore(%arg12 : memref<!tpu.dma_semaphore, #tpu.memory_space<semaphore_mem>>) src(%dma_wait3A_194 : memref<1048576xf32, #tpu.memory_space<hbm>>) dst(%arg8 : memref<6400xf32, #tpu.memory_space<vmem>>)
    %add3A_195 = arith.constant 70400 : i32
    %add3A_196 = arith.addi %mul3A_2, %add3A_195 : i32
    %dma_start3A_197 = tpu.memref_slice %arg4[%add3A_196] : memref<3276800xf32, #tpu.memory_space<hbm>> -> memref<6400xf32, #tpu.memory_space<hbm>>
    %dma_start3A_198 = tpu.memref_slice %arg4[%add3A_196] : memref<3276800xf32, #tpu.memory_space<hbm>> -> memref<6400xf32, #tpu.memory_space<hbm>>
    tpu.enqueue_dma source(%arg8 : memref<6400xf32, #tpu.memory_space<vmem>>) target(%dma_start3A_198 : memref<6400xf32, #tpu.memory_space<hbm>>) target_semaphore(%arg14 : memref<!tpu.dma_semaphore, #tpu.memory_space<semaphore_mem>>)
    %add3A_199 = arith.constant 83200 : i32
    %add3A_200 = arith.addi %mul3A_2, %add3A_199 : i32
    %dma_start3A_201 = tpu.memref_slice %arg3[%add3A_200] : memref<3276800xi32, #tpu.memory_space<hbm>> -> memref<6400xi32, #tpu.memory_space<hbm>>
    %dma_start3A_202 = tpu.memref_slice %arg3[%add3A_200] : memref<3276800xi32, #tpu.memory_space<hbm>> -> memref<6400xi32, #tpu.memory_space<hbm>>
    tpu.enqueue_dma source(%dma_start3A_202 : memref<6400xi32, #tpu.memory_space<hbm>>) target(%arg6 : memref<6400xi32, #tpu.memory_space<vmem>>) target_semaphore(%arg10 : memref<!tpu.dma_semaphore, #tpu.memory_space<semaphore_mem>>)
    %dma_wait3A_203 = tpu.memref_slice %arg4[%add3A_196] : memref<3276800xf32, #tpu.memory_space<hbm>> -> memref<6400xf32, #tpu.memory_space<hbm>>
    %dma_wait3A_204 = tpu.memref_slice %arg4[%add3A_196] : memref<3276800xf32, #tpu.memory_space<hbm>> -> memref<6400xf32, #tpu.memory_space<hbm>>
    tpu.wait_dma2 semaphore(%arg14 : memref<!tpu.dma_semaphore, #tpu.memory_space<semaphore_mem>>) src(%arg8 : memref<6400xf32, #tpu.memory_space<vmem>>) dst(%dma_wait3A_204 : memref<6400xf32, #tpu.memory_space<hbm>>)
    %dma_wait3A_205 = tpu.memref_slice %arg3[%add3A_200] : memref<3276800xi32, #tpu.memory_space<hbm>> -> memref<6400xi32, #tpu.memory_space<hbm>>
    %dma_wait3A_206 = tpu.memref_slice %arg3[%add3A_200] : memref<3276800xi32, #tpu.memory_space<hbm>> -> memref<6400xi32, #tpu.memory_space<hbm>>
    tpu.wait_dma2 semaphore(%arg10 : memref<!tpu.dma_semaphore, #tpu.memory_space<semaphore_mem>>) src(%dma_wait3A_206 : memref<6400xi32, #tpu.memory_space<hbm>>) dst(%arg6 : memref<6400xi32, #tpu.memory_space<vmem>>)
    %dma_start3A_207 = arith.constant 0 : i32
    %dma_start3A_208 = tpu.memref_slice %arg2[%dma_start3A_207] : memref<1048576xf32, #tpu.memory_space<hbm>> -> memref<1048576xf32, #tpu.memory_space<hbm>>
    tpu.enqueue_indirect_dma source(%dma_start3A_208 : memref<1048576xf32, #tpu.memory_space<hbm>>) target(%arg8 : memref<6400xf32, #tpu.memory_space<vmem>>) offsets(%arg6 : memref<6400xi32, #tpu.memory_space<vmem>>) semaphore(%arg12 : memref<!tpu.dma_semaphore, #tpu.memory_space<semaphore_mem>>)
    %dma_wait3A_209 = arith.constant 0 : i32
    %dma_wait3A_210 = tpu.memref_slice %arg2[%dma_wait3A_209] : memref<1048576xf32, #tpu.memory_space<hbm>> -> memref<1048576xf32, #tpu.memory_space<hbm>>
    tpu.wait_indirect_dma semaphore(%arg11 : memref<!tpu.dma_semaphore, #tpu.memory_space<semaphore_mem>>) src(%dma_wait3A_210 : memref<1048576xf32, #tpu.memory_space<hbm>>) dst(%arg7 : memref<6400xf32, #tpu.memory_space<vmem>>)
    %add3A_211 = arith.constant 76800 : i32
    %add3A_212 = arith.addi %mul3A_2, %add3A_211 : i32
    %dma_start3A_213 = tpu.memref_slice %arg4[%add3A_212] : memref<3276800xf32, #tpu.memory_space<hbm>> -> memref<6400xf32, #tpu.memory_space<hbm>>
    %dma_start3A_214 = tpu.memref_slice %arg4[%add3A_212] : memref<3276800xf32, #tpu.memory_space<hbm>> -> memref<6400xf32, #tpu.memory_space<hbm>>
    tpu.enqueue_dma source(%arg7 : memref<6400xf32, #tpu.memory_space<vmem>>) target(%dma_start3A_214 : memref<6400xf32, #tpu.memory_space<hbm>>) target_semaphore(%arg13 : memref<!tpu.dma_semaphore, #tpu.memory_space<semaphore_mem>>)
    %add3A_215 = arith.constant 89600 : i32
    %add3A_216 = arith.addi %mul3A_2, %add3A_215 : i32
    %dma_start3A_217 = tpu.memref_slice %arg3[%add3A_216] : memref<3276800xi32, #tpu.memory_space<hbm>> -> memref<6400xi32, #tpu.memory_space<hbm>>
    %dma_start3A_218 = tpu.memref_slice %arg3[%add3A_216] : memref<3276800xi32, #tpu.memory_space<hbm>> -> memref<6400xi32, #tpu.memory_space<hbm>>
    tpu.enqueue_dma source(%dma_start3A_218 : memref<6400xi32, #tpu.memory_space<hbm>>) target(%arg5 : memref<6400xi32, #tpu.memory_space<vmem>>) target_semaphore(%arg9 : memref<!tpu.dma_semaphore, #tpu.memory_space<semaphore_mem>>)
    %dma_wait3A_219 = tpu.memref_slice %arg4[%add3A_212] : memref<3276800xf32, #tpu.memory_space<hbm>> -> memref<6400xf32, #tpu.memory_space<hbm>>
    %dma_wait3A_220 = tpu.memref_slice %arg4[%add3A_212] : memref<3276800xf32, #tpu.memory_space<hbm>> -> memref<6400xf32, #tpu.memory_space<hbm>>
    tpu.wait_dma2 semaphore(%arg13 : memref<!tpu.dma_semaphore, #tpu.memory_space<semaphore_mem>>) src(%arg7 : memref<6400xf32, #tpu.memory_space<vmem>>) dst(%dma_wait3A_220 : memref<6400xf32, #tpu.memory_space<hbm>>)
    %dma_wait3A_221 = tpu.memref_slice %arg3[%add3A_216] : memref<3276800xi32, #tpu.memory_space<hbm>> -> memref<6400xi32, #tpu.memory_space<hbm>>
    %dma_wait3A_222 = tpu.memref_slice %arg3[%add3A_216] : memref<3276800xi32, #tpu.memory_space<hbm>> -> memref<6400xi32, #tpu.memory_space<hbm>>
    tpu.wait_dma2 semaphore(%arg9 : memref<!tpu.dma_semaphore, #tpu.memory_space<semaphore_mem>>) src(%dma_wait3A_222 : memref<6400xi32, #tpu.memory_space<hbm>>) dst(%arg5 : memref<6400xi32, #tpu.memory_space<vmem>>)
    %dma_start3A_223 = arith.constant 0 : i32
    %dma_start3A_224 = tpu.memref_slice %arg2[%dma_start3A_223] : memref<1048576xf32, #tpu.memory_space<hbm>> -> memref<1048576xf32, #tpu.memory_space<hbm>>
    tpu.enqueue_indirect_dma source(%dma_start3A_224 : memref<1048576xf32, #tpu.memory_space<hbm>>) target(%arg7 : memref<6400xf32, #tpu.memory_space<vmem>>) offsets(%arg5 : memref<6400xi32, #tpu.memory_space<vmem>>) semaphore(%arg11 : memref<!tpu.dma_semaphore, #tpu.memory_space<semaphore_mem>>)
    %dma_wait3A_225 = arith.constant 0 : i32
    %dma_wait3A_226 = tpu.memref_slice %arg2[%dma_wait3A_225] : memref<1048576xf32, #tpu.memory_space<hbm>> -> memref<1048576xf32, #tpu.memory_space<hbm>>
    tpu.wait_indirect_dma semaphore(%arg12 : memref<!tpu.dma_semaphore, #tpu.memory_space<semaphore_mem>>) src(%dma_wait3A_226 : memref<1048576xf32, #tpu.memory_space<hbm>>) dst(%arg8 : memref<6400xf32, #tpu.memory_space<vmem>>)
    %add3A_227 = arith.constant 83200 : i32
    %add3A_228 = arith.addi %mul3A_2, %add3A_227 : i32
    %dma_start3A_229 = tpu.memref_slice %arg4[%add3A_228] : memref<3276800xf32, #tpu.memory_space<hbm>> -> memref<6400xf32, #tpu.memory_space<hbm>>
    %dma_start3A_230 = tpu.memref_slice %arg4[%add3A_228] : memref<3276800xf32, #tpu.memory_space<hbm>> -> memref<6400xf32, #tpu.memory_space<hbm>>
    tpu.enqueue_dma source(%arg8 : memref<6400xf32, #tpu.memory_space<vmem>>) target(%dma_start3A_230 : memref<6400xf32, #tpu.memory_space<hbm>>) target_semaphore(%arg14 : memref<!tpu.dma_semaphore, #tpu.memory_space<semaphore_mem>>)
    %add3A_231 = arith.constant 96000 : i32
    %add3A_232 = arith.addi %mul3A_2, %add3A_231 : i32
    %dma_start3A_233 = tpu.memref_slice %arg3[%add3A_232] : memref<3276800xi32, #tpu.memory_space<hbm>> -> memref<6400xi32, #tpu.memory_space<hbm>>
    %dma_start3A_234 = tpu.memref_slice %arg3[%add3A_232] : memref<3276800xi32, #tpu.memory_space<hbm>> -> memref<6400xi32, #tpu.memory_space<hbm>>
    tpu.enqueue_dma source(%dma_start3A_234 : memref<6400xi32, #tpu.memory_space<hbm>>) target(%arg6 : memref<6400xi32, #tpu.memory_space<vmem>>) target_semaphore(%arg10 : memref<!tpu.dma_semaphore, #tpu.memory_space<semaphore_mem>>)
    %dma_wait3A_235 = tpu.memref_slice %arg4[%add3A_228] : memref<3276800xf32, #tpu.memory_space<hbm>> -> memref<6400xf32, #tpu.memory_space<hbm>>
    %dma_wait3A_236 = tpu.memref_slice %arg4[%add3A_228] : memref<3276800xf32, #tpu.memory_space<hbm>> -> memref<6400xf32, #tpu.memory_space<hbm>>
    tpu.wait_dma2 semaphore(%arg14 : memref<!tpu.dma_semaphore, #tpu.memory_space<semaphore_mem>>) src(%arg8 : memref<6400xf32, #tpu.memory_space<vmem>>) dst(%dma_wait3A_236 : memref<6400xf32, #tpu.memory_space<hbm>>)
    %dma_wait3A_237 = tpu.memref_slice %arg3[%add3A_232] : memref<3276800xi32, #tpu.memory_space<hbm>> -> memref<6400xi32, #tpu.memory_space<hbm>>
    %dma_wait3A_238 = tpu.memref_slice %arg3[%add3A_232] : memref<3276800xi32, #tpu.memory_space<hbm>> -> memref<6400xi32, #tpu.memory_space<hbm>>
    tpu.wait_dma2 semaphore(%arg10 : memref<!tpu.dma_semaphore, #tpu.memory_space<semaphore_mem>>) src(%dma_wait3A_238 : memref<6400xi32, #tpu.memory_space<hbm>>) dst(%arg6 : memref<6400xi32, #tpu.memory_space<vmem>>)
    %dma_start3A_239 = arith.constant 0 : i32
    %dma_start3A_240 = tpu.memref_slice %arg2[%dma_start3A_239] : memref<1048576xf32, #tpu.memory_space<hbm>> -> memref<1048576xf32, #tpu.memory_space<hbm>>
    tpu.enqueue_indirect_dma source(%dma_start3A_240 : memref<1048576xf32, #tpu.memory_space<hbm>>) target(%arg8 : memref<6400xf32, #tpu.memory_space<vmem>>) offsets(%arg6 : memref<6400xi32, #tpu.memory_space<vmem>>) semaphore(%arg12 : memref<!tpu.dma_semaphore, #tpu.memory_space<semaphore_mem>>)
    %dma_wait3A_241 = arith.constant 0 : i32
    %dma_wait3A_242 = tpu.memref_slice %arg2[%dma_wait3A_241] : memref<1048576xf32, #tpu.memory_space<hbm>> -> memref<1048576xf32, #tpu.memory_space<hbm>>
    tpu.wait_indirect_dma semaphore(%arg11 : memref<!tpu.dma_semaphore, #tpu.memory_space<semaphore_mem>>) src(%dma_wait3A_242 : memref<1048576xf32, #tpu.memory_space<hbm>>) dst(%arg7 : memref<6400xf32, #tpu.memory_space<vmem>>)
    %add3A_243 = arith.constant 89600 : i32
    %add3A_244 = arith.addi %mul3A_2, %add3A_243 : i32
    %dma_start3A_245 = tpu.memref_slice %arg4[%add3A_244] : memref<3276800xf32, #tpu.memory_space<hbm>> -> memref<6400xf32, #tpu.memory_space<hbm>>
    %dma_start3A_246 = tpu.memref_slice %arg4[%add3A_244] : memref<3276800xf32, #tpu.memory_space<hbm>> -> memref<6400xf32, #tpu.memory_space<hbm>>
    tpu.enqueue_dma source(%arg7 : memref<6400xf32, #tpu.memory_space<vmem>>) target(%dma_start3A_246 : memref<6400xf32, #tpu.memory_space<hbm>>) target_semaphore(%arg13 : memref<!tpu.dma_semaphore, #tpu.memory_space<semaphore_mem>>)
    %dma_wait3A_247 = arith.constant 0 : i32
    %dma_wait3A_248 = tpu.memref_slice %arg2[%dma_wait3A_247] : memref<1048576xf32, #tpu.memory_space<hbm>> -> memref<1048576xf32, #tpu.memory_space<hbm>>
    tpu.wait_indirect_dma semaphore(%arg12 : memref<!tpu.dma_semaphore, #tpu.memory_space<semaphore_mem>>) src(%dma_wait3A_248 : memref<1048576xf32, #tpu.memory_space<hbm>>) dst(%arg8 : memref<6400xf32, #tpu.memory_space<vmem>>)
    %add3A_249 = arith.constant 96000 : i32
    %add3A_250 = arith.addi %mul3A_2, %add3A_249 : i32
    %dma_start3A_251 = tpu.memref_slice %arg4[%add3A_250] : memref<3276800xf32, #tpu.memory_space<hbm>> -> memref<6400xf32, #tpu.memory_space<hbm>>
    %dma_start3A_252 = tpu.memref_slice %arg4[%add3A_250] : memref<3276800xf32, #tpu.memory_space<hbm>> -> memref<6400xf32, #tpu.memory_space<hbm>>
    tpu.enqueue_dma source(%arg8 : memref<6400xf32, #tpu.memory_space<vmem>>) target(%dma_start3A_252 : memref<6400xf32, #tpu.memory_space<hbm>>) target_semaphore(%arg14 : memref<!tpu.dma_semaphore, #tpu.memory_space<semaphore_mem>>)
    %dma_wait3A_253 = tpu.memref_slice %arg4[%add3A_244] : memref<3276800xf32, #tpu.memory_space<hbm>> -> memref<6400xf32, #tpu.memory_space<hbm>>
    %dma_wait3A_254 = tpu.memref_slice %arg4[%add3A_244] : memref<3276800xf32, #tpu.memory_space<hbm>> -> memref<6400xf32, #tpu.memory_space<hbm>>
    tpu.wait_dma2 semaphore(%arg13 : memref<!tpu.dma_semaphore, #tpu.memory_space<semaphore_mem>>) src(%arg7 : memref<6400xf32, #tpu.memory_space<vmem>>) dst(%dma_wait3A_254 : memref<6400xf32, #tpu.memory_space<hbm>>)
    %dma_wait3A_255 = tpu.memref_slice %arg4[%add3A_250] : memref<3276800xf32, #tpu.memory_space<hbm>> -> memref<6400xf32, #tpu.memory_space<hbm>>
    %dma_wait3A_256 = tpu.memref_slice %arg4[%add3A_250] : memref<3276800xf32, #tpu.memory_space<hbm>> -> memref<6400xf32, #tpu.memory_space<hbm>>
    tpu.wait_dma2 semaphore(%arg14 : memref<!tpu.dma_semaphore, #tpu.memory_space<semaphore_mem>>) src(%arg8 : memref<6400xf32, #tpu.memory_space<vmem>>) dst(%dma_wait3A_256 : memref<6400xf32, #tpu.memory_space<hbm>>)
    return
  }
}

module attributes {stable_mosaic.version = 14 : i64} {
  func.func @_proj_body(%arg0: i32, %arg1: memref<32x65536xf32, #tpu.memory_space<vmem>>, %arg2: memref<32x1xf32, #tpu.memory_space<vmem>>, %arg3: memref<1x1xf32, #tpu.memory_space<smem>>, %arg4: memref<1x1x65536xf32, #tpu.memory_space<vmem>>) attributes {dimension_semantics = [#tpu.dimension_semantics<arbitrary>], iteration_bounds = array<i64: 16>, scalar_prefetch = 0 : i64, scratch_operands = 0 : i64, tpu.core_type = #tpu.core_type<tc>, window_params = [{transform_indices = @transform_0, window_bounds = array<i64: 32, 65536>}, {pipeline_mode = #tpu.pipeline_mode<synchronous>, transform_indices = @transform_1, window_bounds = array<i64: 32, 1>}, {transform_indices = @transform_2, window_bounds = array<i64: 1, 1>}, {transform_indices = @transform_3, window_bounds = array<i64: 1, 1, 65536>}]} {
    %get3A = arith.constant 0 : index
    %get3A_0 = arith.constant 0 : index
    %get3A_1 = vector.load %arg1[%get3A, %get3A_0] : memref<32x65536xf32, #tpu.memory_space<vmem>>, vector<32x65536xf32>
    %get3A_2 = arith.constant 0 : index
    %get3A_3 = arith.constant 0 : index
    %get3A_4 = vector.load %arg2[%get3A_2, %get3A_3] : memref<32x1xf32, #tpu.memory_space<vmem>>, vector<32x1xf32>
    %mul3A = vector.broadcast %get3A_4 : vector<32x1xf32> to vector<32x65536xf32>
    %mul3A_5 = arith.mulf %get3A_1, %mul3A : vector<32x65536xf32>
    %reduce_sum3A = arith.constant dense<0.000000e+00> : vector<65536xf32>
    %reduce_sum3A_6 = vector.multi_reduction <add>, %mul3A_5, %reduce_sum3A [0] : vector<32x65536xf32> to vector<65536xf32>
    %broadcast_in_dim3A = vector.shape_cast %reduce_sum3A_6 : vector<65536xf32> to vector<1x65536xf32>
    %get3A_7 = arith.constant 0 : index
    %get3A_8 = arith.constant 0 : index
    %get3A_9 = memref.load %arg3[%get3A_7, %get3A_8] : memref<1x1xf32, #tpu.memory_space<smem>>
    %add3A = vector.broadcast %get3A_9 : f32 to vector<1x65536xf32>
    %add3A_10 = arith.addf %broadcast_in_dim3A, %add3A : vector<1x65536xf32>
    %reshape3A = vector.shape_cast %add3A_10 : vector<1x65536xf32> to vector<1x1x65536xf32>
    %swap3A = arith.constant 0 : index
    %swap3A_11 = arith.constant 0 : index
    %swap3A_12 = arith.constant 0 : index
    %swap3A_13 = vector.load %arg4[%swap3A, %swap3A_11, %swap3A_12] : memref<1x1x65536xf32, #tpu.memory_space<vmem>>, vector<1x1x65536xf32>
    tpu.vector_store %arg4[%swap3A, %swap3A_11, %swap3A_12], %reshape3A {strides = array<i32>} : memref<1x1x65536xf32, #tpu.memory_space<vmem>>, vector<1x1x65536xf32>,
    return
  }
  func.func @transform_0(%arg0: i32) -> (i32, i32) {
    %c0_i32 = arith.constant 0 : i32
    %c0_i32_0 = arith.constant 0 : i32
    return %c0_i32, %arg0 : i32, i32
  }
  func.func @transform_1(%arg0: i32) -> (i32, i32) {
    %c0_i32 = arith.constant 0 : i32
    %c0_i32_0 = arith.constant 0 : i32
    %c0_i32_1 = arith.constant 0 : i32
    return %c0_i32, %c0_i32_0 : i32, i32
  }
  func.func @transform_2(%arg0: i32) -> (i32, i32) {
    %c0_i32 = arith.constant 0 : i32
    %c0_i32_0 = arith.constant 0 : i32
    %c0_i32_1 = arith.constant 0 : i32
    return %c0_i32, %c0_i32_0 : i32, i32
  }
  func.func @transform_3(%arg0: i32) -> (i32, i32, i32) {
    %c0_i32 = arith.constant 0 : i32
    %c0_i32_0 = arith.constant 0 : i32
    %c0_i32_1 = arith.constant 0 : i32
    return %arg0, %c0_i32, %c0_i32_0 : i32, i32, i32
  }
}

</mosaic_0001>

<sc_bundles>
// kernel: kernel.4.cloned.1.call-start
scs
__scs_entry_jumppad:
0x0: {  	(pc) =	sbr.rel $0x88, $3  }
0x1: {  	(tag) =	ssettag $0x0;
	lr =	simm.s32 $0x1  }
0x2: {  	[smem:$0x3F9D] =	sst lr;
	_ =	strace $0xD0000000  }
0x3: {  	_ = 	snop  }
0x4: {  	_ = 	snop  }
0x5: {  	_ = 	snop  }
0x6: {  	_ = 	snop  }
0x7: {  	_ = 	snop  }
__scs_overlays_trampoline_lowered:
0x8: {  	[smem:$0x3FAC] =	sst s0  }
0x9: {  	[smem:$0x3FAD] =	sst s1  }
0xa: {  	[smem:$0x3FAE] =	sst s2  }
0xb: {  	[smem:$0x3FAF] =	sst s3  }
0xc: {  	[smem:$0x3FB0] =	sst s4  }
0xd: {  	[smem:$0x3FB1] =	sst s5  }
0xe: {  	[smem:$0x3FB2] =	sst s6  }
0xf: {  	[smem:$0x3FB3] =	sst s7  }
0x10: {  	[smem:$0x3FB4] =	sst s8  }
0x11: {  	[smem:$0x3FB5] =	sst s9;
	s0 =	simm.s32 @!p0 $0x0  }
0x12: {  	s1 =	sld [smem:$0x3F9B];
	s0 =	simm.s32 @p0 $0x1  }
0x13: {  	[smem:$0x3FB6] =	sst s0;
	s0 =	simm.s32 @!p1 $0x0  }
0x14: {  	s2 =	sld [smem:$0x3F9A];
	s0 =	simm.s32 @p1 $0x1  }
0x15: {  	[smem:$0x3FB7] =	sst s0;
	s0 =	simm.s32 @!p2 $0x0  }
0x16: {  	s3 =	sld [smem:$0x3FDB];
	s0 =	simm.s32 @p2 $0x1  }
0x17: {  	s4 =	simm.s32 $0x1BF5;
	[smem:$0x3FB9] =	sst s0  }
0x18: {  	s0 =	sld [smem:$0x3F9C];
	_ =	swait.ge [sflag:s4], $0x0  }
0x19: {  	s7 =	sld [smem:$0x3F9D]  }
0x1a: {  	s8 =	sadd.s32 $0xFFFFE003, lr  }
0x1b: {  	s9 =	sadd.s32 $0xFFFFFEF7, lr;
	s5 =	simm.s32 $0xFFFFFFFF;
	p2 =	slt.u32 s8, $0xFFFFF086  }
0x1c: {  	p1 =	slt.u32 s9, $0xF7A;
	s5 =	simm.s32 @!p2 $0x0  }
0x1d: {  	s5 =	simm.s32 @p1 $0x1;
	p0 =	seq.s32 s7, s2  }
0x1e: {  	s7 =	smul.u32 @!p0 $0xF7A, s2;
	p2 =	seq.s32 @!p0 s5, $0x0  }
0x1f: {  	s9 =	smul.u32 $0xF7A, s1;
	s8 =	simm.s32 @!p0 $0x1BF5;
	p2 =	por !p2, p0  }
0x20: {  	[sflag:s8] =	ssyncset.s32 @!p0 $0xFFFFF086;
	s6 =	sadd.s32 @!p0 s3, s7;
	s7 =	simm.s32 @!p0 $0x108  }
0x21: {  	s3 =	sadd.s32 s3, s9;
	s6 =	sadd.s32 @!p0 $0x88, s6;
	s7 =	simm.s32 @p2 $0x1082  }
0x22: {  	[simem:s7], [sflag:s8] =	dma.local @!p0 [hbm:s6], $0xF7A  }
0x23: {  	s9 =	sor.u32 $0xD0000000, s2;
	s6 =	simm.s32 $0x108;
	_ =	swait.ge @!p0 [sflag:s8], $0x0  }
0x24: {  	s3 =	sadd.s32 $0x88, s3;
	s6 =	simm.s32 @!p1 $0x1082;
	[sflag:s4] =	ssyncset.s32 $0xFFFFF086  }
0x25: {  	[simem:s6], [sflag:s4] =	dma.local [hbm:s3], $0xF7A  }
0x26: {  	[smem:$0x3F9D] =	sst s1;
	(tag) =	ssettag s2;
	_ =	strace s9  }
0x27: {  	s1 =	sld [smem:$0x3FAD]  }
0x28: {  	s2 =	sld [smem:$0x3FAE]  }
0x29: {  	s4 =	sld [smem:$0x3FB0]  }
0x2a: {  	p0 =	seq.s32 s5, $0x0;
	s5 =	sld [smem:$0x3FB1]  }
0x2b: {  	s6 =	sld [smem:$0x3FB2]  }
0x2c: {  	s7 =	sld [smem:$0x3FB3]  }
0x2d: {  	s3 =	simm.s32 $0x108;
	s8 =	sld [smem:$0x3FB4]  }
0x2e: {  	s3 =	simm.s32 @!p0 $0x1082;
	s9 =	sld [smem:$0x3FB5]  }
0x2f: {  	lr =	sadd.s32 s0, s3;
	s0 =	sld [smem:$0x3FAC]  }
0x30: {  	s3 =	sld [smem:$0x3FAF]  }
0x31: {  	[smem:$0x3FB8] =	sst s10  }
0x32: {  	s10 =	sld [smem:$0x3FB6];
	_ =	sdelay $0x3  }
0x33: {  	p0 =	seq.s32 s10, $0x1;
	s10 =	sld [smem:$0x3FB8];
	_ =	sdelay $0x3  }
0x34: {  	[smem:$0x3FB8] =	sst s10  }
0x35: {  	s10 =	sld [smem:$0x3FB7];
	_ =	sdelay $0x3  }
0x36: {  	p1 =	seq.s32 s10, $0x1;
	s10 =	sld [smem:$0x3FB8];
	_ =	sdelay $0x3  }
0x37: {  	[smem:$0x3FB8] =	sst s10  }
0x38: {  	s10 =	sld [smem:$0x3FB9]  }
0x39: {  	_ = 	snop;
	(pc) =	sbr.ind lr, $3  }
0x3a: {  	_ = 	snop  }
0x3b: {  	_ = 	snop  }
0x3c: {  	p2 =	seq.s32 s10, $0x1;
	s10 =	sld [smem:$0x3FB8]  }
0x3d: {  	_ =	shalt  }
0x3e: {  	_ =	shalt  }
0x3f: {  	_ =	shalt  }
0x40: {  	_ =	shalt  }
0x41: {  	_ =	shalt  }
0x42: {  	_ =	shalt  }
0x43: {  	_ =	shalt  }
0x44: {  	_ =	shalt  }
0x45: {  	_ =	shalt  }
0x46: {  	_ =	shalt  }
0x47: {  	_ =	shalt  }
0x48: {  	_ =	shalt  }
0x49: {  	_ =	shalt  }
0x4a: {  	_ =	shalt  }
0x4b: {  	_ =	shalt  }
0x4c: {  	_ =	shalt  }
0x4d: {  	_ =	shalt  }
0x4e: {  	_ =	shalt  }
0x4f: {  	_ =	shalt  }
0x50: {  	_ =	shalt  }
0x51: {  	_ =	shalt  }
0x52: {  	_ =	shalt  }
0x53: {  	_ =	shalt  }
0x54: {  	_ =	shalt  }
0x55: {  	_ =	shalt  }
0x56: {  	_ =	shalt  }
0x57: {  	_ =	shalt  }
0x58: {  	_ =	shalt  }
0x59: {  	_ =	shalt  }
0x5a: {  	_ =	shalt  }
0x5b: {  	_ =	shalt  }
0x5c: {  	_ =	shalt  }
0x5d: {  	_ =	shalt  }
0x5e: {  	_ =	shalt  }
0x5f: {  	_ =	shalt  }
0x60: {  	_ =	shalt  }
0x61: {  	_ =	shalt  }
0x62: {  	_ =	shalt  }
0x63: {  	_ =	shalt  }
0x64: {  	_ =	shalt  }
0x65: {  	_ =	shalt  }
0x66: {  	_ =	shalt  }
0x67: {  	_ =	shalt  }
0x68: {  	_ =	shalt  }
0x69: {  	_ =	shalt  }
0x6a: {  	_ =	shalt  }
0x6b: {  	_ =	shalt  }
0x6c: {  	_ =	shalt  }
0x6d: {  	_ =	shalt  }
0x6e: {  	_ =	shalt  }
0x6f: {  	_ =	shalt  }
0x70: {  	_ =	shalt  }
0x71: {  	_ =	shalt  }
0x72: {  	_ =	shalt  }
0x73: {  	_ =	shalt  }
0x74: {  	_ =	shalt  }
0x75: {  	_ =	shalt  }
0x76: {  	_ =	shalt  }
0x77: {  	_ =	shalt  }
0x78: {  	_ =	shalt  }
0x79: {  	_ =	shalt  }
0x7a: {  	_ =	shalt  }
0x7b: {  	_ =	shalt  }
0x7c: {  	_ =	shalt  }
0x7d: {  	_ =	shalt  }
0x7e: {  	_ =	shalt  }
0x7f: {  	_ =	shalt  }
0x80: {  	_ =	shalt  }
0x81: {  	_ =	shalt  }
0x82: {  	_ =	shalt  }
0x83: {  	_ =	shalt  }
0x84: {  	_ =	shalt  }
0x85: {  	_ =	shalt  }
0x86: {  	_ =	shalt  }
0x87: {  	_ =	shalt  }
.Lfunc_end0:
.L_simem_size_0:
called_computation_lowered:
.L_overlay_start_0:
0x88: {  	s2 =	sld [smem:$0x3FD9]  }
0x89: {  	s3 =	sld [smem:$0x3FFE];
	_ =	sdelay $0x1  }
0x8a: {  	s1 =	srdreg.scid  }
0x8b: {  	s0 =	sand.u32 $0x1, s1  }
0x8c: {  	s17 =	sshll.u32 s0, $0xA;
	s2 =	sadd.s32 s3, s2  }
0x8d: {  	s2 =	sadd.s32 s2, s17  }
0x8e: {  	[smem:$0x3FC4] =	sst s2  }
0x8f: {  	_ = 	snop  }
0x90: {  	s2 =	sld [smem:$0x3FD0];
	(tm) =	ssettm $0x1  }
0x91: {  	s18 =	sld [smem:$0x3FFB];
	_ =	sdelay $0x3  }
0x92: {  	_ =	strace s18  }
0x93: {  	s3 =	sld [smem:$0x3FFC];
	_ =	sdelay $0x3  }
0x94: {  	_ =	strace s3  }
0x95: {  	s3 =	sld [smem:$0x3FFD];
	_ =	sdelay $0x3  }
0x96: {  	_ =	strace s3  }
0x97: {  	_ =	strace $0x8FFFFFFF  }
0x98: {  	s19 =	sld [smem:$0x3FDB];
	_ =	sdelay $0x1  }
0x99: {  	s4 =	simm.s32 $_scs_section_size  }
0x9a: {  	s5 =	simm.s32 $_size__tile_overlayer_lowered;
	s6 =	simm.s32 $_tile_overlayer_lowered  }
0x9b: {  	s22 =	simm.s32 $0x1BFF;
	s21 =	sshll.u32 s6, $0x1;
	s3 =	sadd.s32 s4, s19  }
0x9c: {  	s7 =	simm.s32 $0x0;
	s20 =	sshll.u32 s5, $0x1;
	s5 =	sadd.s32 s21, s3  }
0x9d: {  	[timem:s7], [sflag:s22] =	dma.local [hbm:s5], s20  }
0x9e: {  	_ =	swait.ge [sflag:s22], s20  }
0x9f: {  	s4 =	ssub.s32 $0x0, s20;
	[sflag:s22] =	ssyncset.done $0x0  }
0xa0: {  	[sflag:s22] =	ssyncadd.s32 s4;
	_ =	sdelay $0x1  }
0xa1: {  	s23 =	simm.s32 $0x1B8B  }
0xa2: {  	_ =	swait.ge [sflag:s23], $0x1  }
0xa3: {  	[sflag:s23] =	ssyncset.done $0x0  }
0xa4: {  	s25 =	simm.s32 $0x1B8E;
	s24 =	sld [smem:$0x3FFE];
	[sflag:s23] =	ssyncadd.s32 $0xFFFFFFFF  }
0xa5: {  	s26 =	simm.s32 $execute0_lowered;
	[smem:$0x3FD2] =	sst s25  }
0xa6: {  	s5 =	sshll.u32 s26, $0x1;
	_ =	strace $0x80000046;
	[dreg:$0x1] =	wrdreg $0xFFFFFFFF  }
0xa7: {  	s28 =	simm.s32 $_size_execute0_lowered;
	s3 =	sadd.s32 s3, s5;
	[dreg:$0x0] =	wrdreg $0x0  }
0xa8: {  	s5 =	sshll.u32 s28, $0x1;
	[dreg:$0x2] =	wrdreg s3  }
0xa9: {  	[dreg:$0x3] =	wrdreg s5  }
0xaa: {  	[dreg:$0x4] =	wrdreg $0xC0  }
0xab: {  	_ =	task [dreg:s7], $0x5FFFF  }
0xac: {  	[dreg:$0x1] =	wrdreg $0xFFFFFFFF  }
0xad: {  	[dreg:$0x0] =	wrdreg $0x60  }
0xae: {  	[dreg:$0x2] =	wrdreg s24  }
0xaf: {  	[dreg:$0x3] =	wrdreg s2  }
0xb0: {  	[dreg:$0x4] =	wrdreg $0x9  }
0xb1: {  	_ =	task.clear_ibuf [dreg:s7], $0x5FFFF;
	_ =	strace $0x90000046  }
0xb2: {  	s29 =	simm.s32 $0x9;
	_ =	strace $0x80000048  }
0xb3: {  	_ =	swait.ge [sflag:s29], $0x1  }
0xb4: {  	[sflag:s29] =	ssyncadd.s32 $0xFFFFFFFF  }
0xb5: {  	_ =	strace $0x90000048  }
0xb6: {  	_ =	sfence  }
0xb7: {  	s30 =	sld [smem:$0x0];
	_ =	sdelay $0x2  }
0xb8: {  	s31 =	sshll.u32 s1, $0xD;
	s1 =	sshrl.u32 s1, $0x2  }
0xb9: {  	s3 =	sand.u32 $0x4000, s31;
	s1 =	sadd.s32 s1, s30  }
0xba: {  	s0 =	sor.u32 s3, s0;
	s1 =	sshll.u32 s1, $0x11  }
0xbb: {  	s0 =	sor.u32 s1, s0  }
0xbc: {  	s0 =	sadd.s32 $0x8F2B, s0  }
0xbd: {  	[sflag:s0] =	ssyncadd.remote.s32 $0x1  }
0xbe: {  	_ =	sfence.sel $0xFFFF  }
0xbf: {  	[dreg:$0x0] =	wrdreg $0xFFFFFFFF;
	(pc) =	sbr.abs _section_cstart, $3  }
0xc0: {  	[dreg:$0x1] =	wrdreg $0xFFFFFFFF  }
0xc1: {  	_ =	task.clear_ibuf [dreg:s7], $0x2FFFF;
	_ =	strace $0x9FFFFFFF  }
0xc2: {  	(tm) =	ssettm $0x7FFFFFFF  }
0xc3: {  	_ =	shalt  }
tec
execute0_lowered:
.L_overlay_start_1:
0x0: {  	(tag) =	ssettag $0x1  }
0x1: {  	s0 =	srdreg.scid;
	s1 =	stileid.u32  }
0x2: {  	s0 =	sand.u32 $0x1, s0;
	s1 =	sshll.u32 s1, $0x1  }
0x3: {  	s3 =	rddreg [dreg:$0x0];
	p0 =	por $0x0, $0x0;
	s2 =	sor.u32 s0, s1  }
0x4: {  	s31 =	simm.s32 $0x6;
	s10 =	sadd.s32 $0x20600, s3;
	s4 =	smul.u32 $0x19000, s2  }
0x5: {  	s3 =	sadd.s32 $0x600, s3;
	s1 =	rddreg [dreg:$0x1];
	s2 =	simm.s32 $0x0  }
0x6: {  	s0 =	ssub.s32 $0x2, s0;
	[smem:$0x7FF] =	sst s2;
	s5 =	sshrl.u32 s4, $0x3  }
0x7: {  	_ =	strace $0x80000047;
	s6 =	sadd.s32 s1, s5;
	s7 =	sadd.s32 $0x320, s5  }
0x8: {  	s4 =	sadd.s32 s10, s5;
	s8 =	sadd.s32 $0x640, s5;
	[dreg:$0x3] =	wrdreg s6  }
0x9: {  	s12 =	sadd.s32 $0x960, s5;
	s26 =	sadd.s32 s1, s7;
	[dreg:$0x5] =	wrdreg s4  }
0xa: {  	s15 =	sadd.s32 $0xC80, s5;
	s9 =	sadd.s32 s1, s8;
	[dreg:$0x4] =	wrdreg s26  }
0xb: {  	s18 =	sadd.s32 $0xFA0, s5;
	s11 =	sadd.s32 s10, s7;
	[dreg:$0x6] =	wrdreg s9  }
0xc: {  	s21 =	sadd.s32 $0x12C0, s5;
	s13 =	sadd.s32 s1, s12;
	[dreg:$0x7] =	wrdreg s11  }
0xd: {  	s24 =	sadd.s32 $0x15E0, s5;
	s14 =	sadd.s32 s10, s8;
	[dreg:$0x8] =	wrdreg s13  }
0xe: {  	s16 =	sadd.s32 s1, s15;
	s17 =	sadd.s32 s10, s12;
	[dreg:$0x9] =	wrdreg s14  }
0xf: {  	s19 =	sadd.s32 s1, s18;
	s20 =	sadd.s32 s10, s15;
	[dreg:$0xa] =	wrdreg s16  }
0x10: {  	s22 =	sadd.s32 s1, s21;
	s23 =	sadd.s32 s10, s18;
	[dreg:$0xb] =	wrdreg s17  }
0x11: {  	s25 =	sadd.s32 s1, s24;
	s30 =	sadd.s32 s10, s21;
	[dreg:$0xc] =	wrdreg s19  }
0x12: {  	s28 =	sadd.s32 s10, s24;
	s12 =	sadd.s32 $0x2260, s5;
	[dreg:$0xd] =	wrdreg s20  }
0x13: {  	s15 =	sadd.s32 $0x2BC0, s5;
	s18 =	sadd.s32 $0x2EE0, s5;
	[dreg:$0xe] =	wrdreg s22  }
0x14: {  	s7 =	simm.s32 $0x3200;
	s8 =	simm.s32 $0x5;
	[dreg:$0xf] =	wrdreg s23  }
0x15: {  	s9 =	sshrl.u32 s0, $0x1;
	[dreg:$0x10] =	wrdreg s25;
	s26 =	sadd.s32 $0x1900, s5  }
0x16: {  	s11 =	sadd.s32 $0x1F40, s5;
	s24 =	sadd.s32 s1, s12;
	s13 =	sadd.s32 $0x2580, s5  }
0x17: {  	s14 =	sadd.s32 $0x28A0, s5;
	s6 =	sadd.s32 s10, s12;
	s19 =	sadd.s32 s1, s15  }
0x18: {  	s16 =	sadd.s32 s1, s18;
	s0 =	ssub.s32 s0, s9;
	s4 =	sadd.s32 s1, s26  }
0x19: {  	s9 =	sadd.s32 $0x1C20, s5;
	s25 =	sadd.s32 s10, s26;
	s26 =	sadd.s32 s1, s11  }
0x1a: {  	s21 =	sadd.s32 s10, s11;
	s22 =	sadd.s32 s1, s13;
	s0 =	smax.u32 s0, $0x1  }
0x1b: {  	[dreg:$0x12] =	wrdreg s6;
	s20 =	sadd.s32 s1, s14;
	p1 =	sne.s32 s0, $0x1  }
.Ltmp0:
0x1c: {  	s17 =	sadd.s32 s10, s13;
	s12 =	sadd.s32 s10, s14;
	(pc) =	sbr.rel @!p1 .LBB2_3-.Ltmp0, $4  }
0x1d: {  	s11 =	sadd.s32 s10, s15;
	s5 =	sadd.s32 s10, s18;
	s18 =	simm.s32 $0x1  }
0x1e: {  	s15 =	simm.s32 $0x2;
	s14 =	simm.s32 $0x3;
	s13 =	simm.s32 $0x4  }
0x1f: {  	s29 =	sadd.s32 s1, s9;
	s23 =	sadd.s32 s10, s9;
	s10 =	simm.s32 $0x1900  }
0x20: {  	s9 =	simm.s32 $0x4B00;
	s6 =	sadd.s32 $0xFFFFFFFF, s0;
	s0 =	rddreg [dreg:$0x3]  }
0x21: {  	[tilespmem:s2], [sflag:$0x1] =	stream.linear.gather [hbm4b:s0+s2], $0x1900, $0x38;
	[tilespmem:$0x6400] =	vst v63  }
0x22: {  	_ =	swait.ge [sflag:s18], $0x1900  }
0x23: {  	[sflag:s18] =	ssyncset.done $0x0  }
0x24: {  	[sflag:s18] =	ssyncadd.s32 $0xFFFFE700  }
0x25: {  	[tilespmem:s7], [sflag:$0x3] =	stream.indirect.gather [hbm4b:s3+s10], $0x1, s2, s10, $0xb8;
	[tilespmem:$0x6400] =	vst v63  }
0x26: {  	s1 =	rddreg [dreg:$0x4]  }
0x27: {  	[tilespmem:s10], [sflag:$0x2] =	stream.linear.gather [hbm4b:s1+s2], $0x1900, $0x38;
	[tilespmem:$0x6400] =	vst v63  }
0x28: {  	_ =	swait.ge [sflag:s15], $0x1900  }
0x29: {  	[sflag:s15] =	ssyncset.done $0x0  }
0x2a: {  	[sflag:s15] =	ssyncadd.s32 $0xFFFFE700  }
0x2b: {  	[tilespmem:s9], [sflag:$0x4] =	stream.indirect.gather [hbm4b:s3+s10], $0x1, s10, s10, $0xb8;
	[tilespmem:$0x6400] =	vst v63  }
0x2c: {  	_ =	swait.ge [sflag:s14], $0x1900  }
0x2d: {  	[sflag:s14] =	ssyncset.done $0x0  }
0x2e: {  	s0 =	rddreg [dreg:$0x5];
	[sflag:s14] =	ssyncadd.s32 $0xFFFFE700  }
0x2f: {  	[hbm4b:s0+s2] =	stream.linear.scatter [tilespmem:s7], [sflag:$0x5], $0x1900, $0x38;
	[tilespmem:$0x6400] =	vst v63  }
0x30: {  	s1 =	rddreg [dreg:$0x6]  }
0x31: {  	[tilespmem:s2], [sflag:$0x1] =	stream.linear.gather [hbm4b:s1+s2], $0x1900, $0x38;
	[tilespmem:$0x6400] =	vst v63  }
0x32: {  	_ =	swait.ge [sflag:s8], $0x1900  }
0x33: {  	[sflag:s8] =	ssyncset.done $0x0  }
0x34: {  	[sflag:s8] =	ssyncadd.s32 $0xFFFFE700  }
0x35: {  	_ =	swait.ge [sflag:s18], $0x1900  }
0x36: {  	[sflag:s18] =	ssyncset.done $0x0  }
0x37: {  	[sflag:s18] =	ssyncadd.s32 $0xFFFFE700  }
0x38: {  	[tilespmem:s7], [sflag:$0x3] =	stream.indirect.gather [hbm4b:s3+s10], $0x1, s2, s10, $0xb8;
	[tilespmem:$0x6400] =	vst v63  }
0x39: {  	_ =	swait.ge [sflag:s13], $0x1900  }
0x3a: {  	[sflag:s13] =	ssyncset.done $0x0  }
0x3b: {  	s0 =	rddreg [dreg:$0x7];
	[sflag:s13] =	ssyncadd.s32 $0xFFFFE700  }
0x3c: {  	[hbm4b:s0+s2] =	stream.linear.scatter [tilespmem:s9], [sflag:$0x6], $0x1900, $0x38;
	[tilespmem:$0x6400] =	vst v63  }
0x3d: {  	s1 =	rddreg [dreg:$0x8]  }
0x3e: {  	[tilespmem:s10], [sflag:$0x2] =	stream.linear.gather [hbm4b:s1+s2], $0x1900, $0x38;
	[tilespmem:$0x6400] =	vst v63  }
0x3f: {  	_ =	swait.ge [sflag:s31], $0x1900  }
0x40: {  	[sflag:s31] =	ssyncset.done $0x0  }
0x41: {  	[sflag:s31] =	ssyncadd.s32 $0xFFFFE700  }
0x42: {  	_ =	swait.ge [sflag:s15], $0x1900  }
0x43: {  	[sflag:s15] =	ssyncset.done $0x0  }
0x44: {  	[sflag:s15] =	ssyncadd.s32 $0xFFFFE700  }
0x45: {  	[tilespmem:s9], [sflag:$0x4] =	stream.indirect.gather [hbm4b:s3+s10], $0x1, s10, s10, $0xb8;
	[tilespmem:$0x6400] =	vst v63  }
0x46: {  	_ =	swait.ge [sflag:s14], $0x1900  }
0x47: {  	[sflag:s14] =	ssyncset.done $0x0  }
0x48: {  	s0 =	rddreg [dreg:$0x9];
	[sflag:s14] =	ssyncadd.s32 $0xFFFFE700  }
0x49: {  	[hbm4b:s0+s2] =	stream.linear.scatter [tilespmem:s7], [sflag:$0x5], $0x1900, $0x38;
	[tilespmem:$0x6400] =	vst v63  }
0x4a: {  	s1 =	rddreg [dreg:$0xa]  }
0x4b: {  	[tilespmem:s2], [sflag:$0x1] =	stream.linear.gather [hbm4b:s1+s2], $0x1900, $0x38;
	[tilespmem:$0x6400] =	vst v63  }
0x4c: {  	_ =	swait.ge [sflag:s8], $0x1900  }
0x4d: {  	[sflag:s8] =	ssyncset.done $0x0  }
0x4e: {  	[sflag:s8] =	ssyncadd.s32 $0xFFFFE700  }
0x4f: {  	_ =	swait.ge [sflag:s18], $0x1900  }
0x50: {  	[sflag:s18] =	ssyncset.done $0x0  }
0x51: {  	[sflag:s18] =	ssyncadd.s32 $0xFFFFE700  }
0x52: {  	[tilespmem:s7], [sflag:$0x3] =	stream.indirect.gather [hbm4b:s3+s10], $0x1, s2, s10, $0xb8;
	[tilespmem:$0x6400] =	vst v63  }
0x53: {  	_ =	swait.ge [sflag:s13], $0x1900  }
0x54: {  	[sflag:s13] =	ssyncset.done $0x0  }
0x55: {  	s0 =	rddreg [dreg:$0xb];
	[sflag:s13] =	ssyncadd.s32 $0xFFFFE700  }
0x56: {  	[hbm4b:s0+s2] =	stream.linear.scatter [tilespmem:s9], [sflag:$0x6], $0x1900, $0x38;
	[tilespmem:$0x6400] =	vst v63  }
0x57: {  	s1 =	rddreg [dreg:$0xc]  }
0x58: {  	[tilespmem:s10], [sflag:$0x2] =	stream.linear.gather [hbm4b:s1+s2], $0x1900, $0x38;
	[tilespmem:$0x6400] =	vst v63  }
0x59: {  	_ =	swait.ge [sflag:s31], $0x1900  }
0x5a: {  	[sflag:s31] =	ssyncset.done $0x0  }
0x5b: {  	[sflag:s31] =	ssyncadd.s32 $0xFFFFE700  }
0x5c: {  	_ =	swait.ge [sflag:s15], $0x1900  }
0x5d: {  	[sflag:s15] =	ssyncset.done $0x0  }
0x5e: {  	[sflag:s15] =	ssyncadd.s32 $0xFFFFE700  }
0x5f: {  	[tilespmem:s9], [sflag:$0x4] =	stream.indirect.gather [hbm4b:s3+s10], $0x1, s10, s10, $0xb8;
	[tilespmem:$0x6400] =	vst v63  }
0x60: {  	_ =	swait.ge [sflag:s14], $0x1900  }
0x61: {  	[sflag:s14] =	ssyncset.done $0x0  }
0x62: {  	s0 =	rddreg [dreg:$0xd];
	[sflag:s14] =	ssyncadd.s32 $0xFFFFE700  }
0x63: {  	[hbm4b:s0+s2] =	stream.linear.scatter [tilespmem:s7], [sflag:$0x5], $0x1900, $0x38;
	[tilespmem:$0x6400] =	vst v63  }
0x64: {  	s1 =	rddreg [dreg:$0xe]  }
0x65: {  	[tilespmem:s2], [sflag:$0x1] =	stream.linear.gather [hbm4b:s1+s2], $0x1900, $0x38;
	[tilespmem:$0x6400] =	vst v63  }
0x66: {  	_ =	swait.ge [sflag:s8], $0x1900  }
0x67: {  	[sflag:s8] =	ssyncset.done $0x0  }
0x68: {  	[sflag:s8] =	ssyncadd.s32 $0xFFFFE700  }
0x69: {  	_ =	swait.ge [sflag:s18], $0x1900  }
0x6a: {  	[sflag:s18] =	ssyncset.done $0x0  }
0x6b: {  	[sflag:s18] =	ssyncadd.s32 $0xFFFFE700  }
0x6c: {  	[tilespmem:s7], [sflag:$0x3] =	stream.indirect.gather [hbm4b:s3+s10], $0x1, s2, s10, $0xb8;
	[tilespmem:$0x6400] =	vst v63  }
0x6d: {  	_ =	swait.ge [sflag:s13], $0x1900  }
0x6e: {  	[sflag:s13] =	ssyncset.done $0x0  }
0x6f: {  	s0 =	rddreg [dreg:$0xf];
	[sflag:s13] =	ssyncadd.s32 $0xFFFFE700  }
0x70: {  	[hbm4b:s0+s2] =	stream.linear.scatter [tilespmem:s9], [sflag:$0x6], $0x1900, $0x38;
	[tilespmem:$0x6400] =	vst v63  }
0x71: {  	s1 =	rddreg [dreg:$0x10]  }
0x72: {  	[tilespmem:s10], [sflag:$0x2] =	stream.linear.gather [hbm4b:s1+s2], $0x1900, $0x38;
	[tilespmem:$0x6400] =	vst v63  }
0x73: {  	_ =	swait.ge [sflag:s31], $0x1900  }
0x74: {  	[sflag:s31] =	ssyncset.done $0x0  }
0x75: {  	[sflag:s31] =	ssyncadd.s32 $0xFFFFE700  }
0x76: {  	_ =	swait.ge [sflag:s15], $0x1900  }
0x77: {  	[sflag:s15] =	ssyncset.done $0x0  }
0x78: {  	[sflag:s15] =	ssyncadd.s32 $0xFFFFE700  }
0x79: {  	[tilespmem:s9], [sflag:$0x4] =	stream.indirect.gather [hbm4b:s3+s10], $0x1, s10, s10, $0xb8;
	[tilespmem:$0x6400] =	vst v63  }
0x7a: {  	_ =	swait.ge [sflag:s14], $0x1900  }
0x7b: {  	[sflag:s14] =	ssyncset.done $0x0  }
0x7c: {  	[sflag:s14] =	ssyncadd.s32 $0xFFFFE700  }
0x7d: {  	[hbm4b:s30+s2] =	stream.linear.scatter [tilespmem:s7], [sflag:$0x5], $0x1900, $0x38;
	[tilespmem:$0x6400] =	vst v63  }
0x7e: {  	_ = 	snop  }
0x7f: {  	[tilespmem:s2], [sflag:$0x1] =	stream.linear.gather [hbm4b:s4+s2], $0x1900, $0x38;
	[tilespmem:$0x6400] =	vst v63  }
0x80: {  	_ =	swait.ge [sflag:s8], $0x1900  }
0x81: {  	[sflag:s8] =	ssyncset.done $0x0  }
0x82: {  	[sflag:s8] =	ssyncadd.s32 $0xFFFFE700  }
0x83: {  	_ =	swait.ge [sflag:s18], $0x1900  }
0x84: {  	[sflag:s18] =	ssyncset.done $0x0  }
0x85: {  	[sflag:s18] =	ssyncadd.s32 $0xFFFFE700  }
0x86: {  	[tilespmem:s7], [sflag:$0x3] =	stream.indirect.gather [hbm4b:s3+s10], $0x1, s2, s10, $0xb8;
	[tilespmem:$0x6400] =	vst v63  }
0x87: {  	_ =	swait.ge [sflag:s13], $0x1900  }
0x88: {  	[sflag:s13] =	ssyncset.done $0x0  }
0x89: {  	[sflag:s13] =	ssyncadd.s32 $0xFFFFE700  }
0x8a: {  	[hbm4b:s28+s2] =	stream.linear.scatter [tilespmem:s9], [sflag:$0x6], $0x1900, $0x38;
	[tilespmem:$0x6400] =	vst v63  }
0x8b: {  	_ = 	snop  }
0x8c: {  	[tilespmem:s10], [sflag:$0x2] =	stream.linear.gather [hbm4b:s29+s2], $0x1900, $0x38;
	[tilespmem:$0x6400] =	vst v63  }
0x8d: {  	_ =	swait.ge [sflag:s31], $0x1900  }
0x8e: {  	[sflag:s31] =	ssyncset.done $0x0  }
0x8f: {  	[sflag:s31] =	ssyncadd.s32 $0xFFFFE700  }
0x90: {  	_ =	swait.ge [sflag:s15], $0x1900  }
0x91: {  	[sflag:s15] =	ssyncset.done $0x0  }
0x92: {  	[sflag:s15] =	ssyncadd.s32 $0xFFFFE700  }
0x93: {  	[tilespmem:s9], [sflag:$0x4] =	stream.indirect.gather [hbm4b:s3+s10], $0x1, s10, s10, $0xb8;
	[tilespmem:$0x6400] =	vst v63  }
0x94: {  	_ =	swait.ge [sflag:s14], $0x1900  }
0x95: {  	[sflag:s14] =	ssyncset.done $0x0  }
0x96: {  	[sflag:s14] =	ssyncadd.s32 $0xFFFFE700  }
0x97: {  	[hbm4b:s25+s2] =	stream.linear.scatter [tilespmem:s7], [sflag:$0x5], $0x1900, $0x38;
	[tilespmem:$0x6400] =	vst v63  }
0x98: {  	_ = 	snop  }
0x99: {  	[tilespmem:s2], [sflag:$0x1] =	stream.linear.gather [hbm4b:s26+s2], $0x1900, $0x38;
	[tilespmem:$0x6400] =	vst v63  }
0x9a: {  	_ =	swait.ge [sflag:s8], $0x1900  }
0x9b: {  	[sflag:s8] =	ssyncset.done $0x0  }
0x9c: {  	[sflag:s8] =	ssyncadd.s32 $0xFFFFE700  }
0x9d: {  	_ =	swait.ge [sflag:s18], $0x1900  }
0x9e: {  	[sflag:s18] =	ssyncset.done $0x0  }
0x9f: {  	[sflag:s18] =	ssyncadd.s32 $0xFFFFE700  }
0xa0: {  	[tilespmem:s7], [sflag:$0x3] =	stream.indirect.gather [hbm4b:s3+s10], $0x1, s2, s10, $0xb8;
	[tilespmem:$0x6400] =	vst v63  }
0xa1: {  	_ =	swait.ge [sflag:s13], $0x1900  }
0xa2: {  	[sflag:s13] =	ssyncset.done $0x0  }
0xa3: {  	[sflag:s13] =	ssyncadd.s32 $0xFFFFE700  }
0xa4: {  	[hbm4b:s23+s2] =	stream.linear.scatter [tilespmem:s9], [sflag:$0x6], $0x1900, $0x38;
	[tilespmem:$0x6400] =	vst v63  }
0xa5: {  	_ = 	snop  }
0xa6: {  	[tilespmem:s10], [sflag:$0x2] =	stream.linear.gather [hbm4b:s24+s2], $0x1900, $0x38;
	[tilespmem:$0x6400] =	vst v63  }
0xa7: {  	_ =	swait.ge [sflag:s31], $0x1900  }
0xa8: {  	[sflag:s31] =	ssyncset.done $0x0  }
0xa9: {  	[sflag:s31] =	ssyncadd.s32 $0xFFFFE700  }
0xaa: {  	_ =	swait.ge [sflag:s15], $0x1900  }
0xab: {  	[sflag:s15] =	ssyncset.done $0x0  }
0xac: {  	[sflag:s15] =	ssyncadd.s32 $0xFFFFE700  }
0xad: {  	[tilespmem:s9], [sflag:$0x4] =	stream.indirect.gather [hbm4b:s3+s10], $0x1, s10, s10, $0xb8;
	[tilespmem:$0x6400] =	vst v63  }
0xae: {  	_ =	swait.ge [sflag:s14], $0x1900  }
0xaf: {  	[sflag:s14] =	ssyncset.done $0x0  }
0xb0: {  	[sflag:s14] =	ssyncadd.s32 $0xFFFFE700  }
0xb1: {  	[hbm4b:s21+s2] =	stream.linear.scatter [tilespmem:s7], [sflag:$0x5], $0x1900, $0x38;
	[tilespmem:$0x6400] =	vst v63  }
0xb2: {  	_ = 	snop  }
0xb3: {  	[tilespmem:s2], [sflag:$0x1] =	stream.linear.gather [hbm4b:s22+s2], $0x1900, $0x38;
	[tilespmem:$0x6400] =	vst v63  }
0xb4: {  	_ =	swait.ge [sflag:s8], $0x1900  }
0xb5: {  	[sflag:s8] =	ssyncset.done $0x0  }
0xb6: {  	[sflag:s8] =	ssyncadd.s32 $0xFFFFE700  }
0xb7: {  	_ =	swait.ge [sflag:s18], $0x1900  }
0xb8: {  	[sflag:s18] =	ssyncset.done $0x0  }
0xb9: {  	[sflag:s18] =	ssyncadd.s32 $0xFFFFE700  }
0xba: {  	[tilespmem:s7], [sflag:$0x3] =	stream.indirect.gather [hbm4b:s3+s10], $0x1, s2, s10, $0xb8;
	[tilespmem:$0x6400] =	vst v63  }
0xbb: {  	_ =	swait.ge [sflag:s13], $0x1900  }
0xbc: {  	[sflag:s13] =	ssyncset.done $0x0  }
0xbd: {  	s1 =	rddreg [dreg:$0x12];
	[sflag:s13] =	ssyncadd.s32 $0xFFFFE700  }
0xbe: {  	[hbm4b:s1+s2] =	stream.linear.scatter [tilespmem:s9], [sflag:$0x6], $0x1900, $0x38;
	[tilespmem:$0x6400] =	vst v63  }
0xbf: {  	_ = 	snop  }
0xc0: {  	[tilespmem:s10], [sflag:$0x2] =	stream.linear.gather [hbm4b:s20+s2], $0x1900, $0x38;
	[tilespmem:$0x6400] =	vst v63  }
0xc1: {  	_ =	swait.ge [sflag:s31], $0x1900  }
0xc2: {  	[sflag:s31] =	ssyncset.done $0x0  }
0xc3: {  	[sflag:s31] =	ssyncadd.s32 $0xFFFFE700  }
0xc4: {  	_ =	swait.ge [sflag:s15], $0x1900  }
0xc5: {  	[sflag:s15] =	ssyncset.done $0x0  }
0xc6: {  	[sflag:s15] =	ssyncadd.s32 $0xFFFFE700  }
0xc7: {  	[tilespmem:s9], [sflag:$0x4] =	stream.indirect.gather [hbm4b:s3+s10], $0x1, s10, s10, $0xb8;
	[tilespmem:$0x6400] =	vst v63  }
0xc8: {  	_ =	swait.ge [sflag:s14], $0x1900  }
0xc9: {  	[sflag:s14] =	ssyncset.done $0x0  }
0xca: {  	[sflag:s14] =	ssyncadd.s32 $0xFFFFE700  }
0xcb: {  	[hbm4b:s17+s2] =	stream.linear.scatter [tilespmem:s7], [sflag:$0x5], $0x1900, $0x38;
	[tilespmem:$0x6400] =	vst v63  }
0xcc: {  	_ = 	snop  }
0xcd: {  	[tilespmem:s2], [sflag:$0x1] =	stream.linear.gather [hbm4b:s19+s2], $0x1900, $0x38;
	[tilespmem:$0x6400] =	vst v63  }
0xce: {  	_ =	swait.ge [sflag:s8], $0x1900  }
0xcf: {  	[sflag:s8] =	ssyncset.done $0x0  }
0xd0: {  	[sflag:s8] =	ssyncadd.s32 $0xFFFFE700  }
0xd1: {  	_ =	swait.ge [sflag:s18], $0x1900  }
0xd2: {  	[sflag:s18] =	ssyncset.done $0x0  }
0xd3: {  	[sflag:s18] =	ssyncadd.s32 $0xFFFFE700  }
0xd4: {  	[tilespmem:s7], [sflag:$0x3] =	stream.indirect.gather [hbm4b:s3+s10], $0x1, s2, s10, $0xb8;
	[tilespmem:$0x6400] =	vst v63  }
0xd5: {  	_ =	swait.ge [sflag:s13], $0x1900  }
0xd6: {  	[sflag:s13] =	ssyncset.done $0x0  }
0xd7: {  	[sflag:s13] =	ssyncadd.s32 $0xFFFFE700  }
0xd8: {  	[hbm4b:s12+s2] =	stream.linear.scatter [tilespmem:s9], [sflag:$0x6], $0x1900, $0x38;
	[tilespmem:$0x6400] =	vst v63  }
0xd9: {  	_ = 	snop  }
0xda: {  	[tilespmem:s10], [sflag:$0x2] =	stream.linear.gather [hbm4b:s16+s2], $0x1900, $0x38;
	[tilespmem:$0x6400] =	vst v63  }
0xdb: {  	_ =	swait.ge [sflag:s31], $0x1900  }
0xdc: {  	[sflag:s31] =	ssyncset.done $0x0  }
0xdd: {  	[sflag:s31] =	ssyncadd.s32 $0xFFFFE700  }
0xde: {  	_ =	swait.ge [sflag:s15], $0x1900  }
0xdf: {  	[sflag:s15] =	ssyncset.done $0x0  }
0xe0: {  	[sflag:s15] =	ssyncadd.s32 $0xFFFFE700  }
0xe1: {  	[tilespmem:s9], [sflag:$0x4] =	stream.indirect.gather [hbm4b:s3+s10], $0x1, s10, s10, $0xb8;
	[tilespmem:$0x6400] =	vst v63  }
0xe2: {  	_ =	swait.ge [sflag:s14], $0x1900  }
0xe3: {  	[sflag:s14] =	ssyncset.done $0x0  }
0xe4: {  	[sflag:s14] =	ssyncadd.s32 $0xFFFFE700  }
0xe5: {  	[hbm4b:s11+s2] =	stream.linear.scatter [tilespmem:s7], [sflag:$0x5], $0x1900, $0x38;
	[tilespmem:$0x6400] =	vst v63  }
0xe6: {  	_ =	swait.ge [sflag:s13], $0x1900  }
0xe7: {  	[sflag:s13] =	ssyncset.done $0x0  }
0xe8: {  	p1 =	sne.s32 s6, $0x1;
	[sflag:s13] =	ssyncadd.s32 $0xFFFFE700  }
0xe9: {  	[hbm4b:s5+s2] =	stream.linear.scatter [tilespmem:s9], [sflag:$0x6], $0x1900, $0x38;
	[tilespmem:$0x6400] =	vst v63  }
.Ltmp1:
0xea: {  	_ =	swait.ge [sflag:s8], $0x1900;
	(pc) =	sbr.rel @!p1 .LBB2_3-.Ltmp1, $4  }
0xeb: {  	[sflag:s8] =	ssyncset.done $0x0  }
0xec: {  	[sflag:s8] =	ssyncadd.s32 $0xFFFFE700  }
0xed: {  	p0 =	por $0x1, $0x1;
	_ =	swait.ge [sflag:s31], $0x1900;
	[dreg:$0x11] =	wrdreg s4  }
0xee: {  	s1 =	sadd.s32 $0xFFFFFFFF, s6;
	s0 =	rddreg [dreg:$0x3];
	[sflag:s31] =	ssyncset.done $0x0  }
.LBB2_2:
0xef: {  	[sflag:s31] =	ssyncadd.s32 $0xFFFFE700  }
0xf0: {  	[tilespmem:s2], [sflag:$0x1] =	stream.linear.gather [hbm4b:s0+s2], $0x1900, $0x38;
	[tilespmem:$0x6400] =	vst v63  }
0xf1: {  	_ =	swait.ge [sflag:s18], $0x1900  }
0xf2: {  	[sflag:s18] =	ssyncset.done $0x0  }
0xf3: {  	[sflag:s18] =	ssyncadd.s32 $0xFFFFE700  }
0xf4: {  	[tilespmem:s7], [sflag:$0x3] =	stream.indirect.gather [hbm4b:s3+s10], $0x1, s2, s10, $0xb8;
	[tilespmem:$0x6400] =	vst v63  }
0xf5: {  	s6 =	rddreg [dreg:$0x4]  }
0xf6: {  	[tilespmem:s10], [sflag:$0x2] =	stream.linear.gather [hbm4b:s6+s2], $0x1900, $0x38;
	[tilespmem:$0x6400] =	vst v63  }
0xf7: {  	_ =	swait.ge [sflag:s15], $0x1900  }
0xf8: {  	[sflag:s15] =	ssyncset.done $0x0  }
0xf9: {  	[sflag:s15] =	ssyncadd.s32 $0xFFFFE700  }
0xfa: {  	[tilespmem:s9], [sflag:$0x4] =	stream.indirect.gather [hbm4b:s3+s10], $0x1, s10, s10, $0xb8;
	[tilespmem:$0x6400] =	vst v63  }
0xfb: {  	_ =	swait.ge [sflag:s14], $0x1900  }
0xfc: {  	[sflag:s14] =	ssyncset.done $0x0  }
0xfd: {  	s9 =	simm.s32 $0x3200;
	s0 =	rddreg [dreg:$0x5];
	[sflag:s14] =	ssyncadd.s32 $0xFFFFE700  }
0xfe: {  	[hbm4b:s0+s2] =	stream.linear.scatter [tilespmem:s9], [sflag:$0x5], $0x1900, $0x38;
	[tilespmem:$0x6400] =	vst v63  }
0xff: {  	s4 =	rddreg [dreg:$0x6]  }
0x100: {  	[tilespmem:s2], [sflag:$0x1] =	stream.linear.gather [hbm4b:s4+s2], $0x1900, $0x38;
	[tilespmem:$0x6400] =	vst v63  }
0x101: {  	_ =	swait.ge [sflag:s8], $0x1900  }
0x102: {  	[sflag:s8] =	ssyncset.done $0x0  }
0x103: {  	[sflag:s8] =	ssyncadd.s32 $0xFFFFE700  }
0x104: {  	_ =	swait.ge [sflag:s18], $0x1900  }
0x105: {  	[sflag:s18] =	ssyncset.done $0x0  }
0x106: {  	s7 =	smov.u32 s30;
	s30 =	smov.u32 s29;
	[sflag:s18] =	ssyncadd.s32 $0xFFFFE700  }
0x107: {  	[tilespmem:s9], [sflag:$0x3] =	stream.indirect.gather [hbm4b:s3+s10], $0x1, s2, s10, $0xb8;
	[tilespmem:$0x6400] =	vst v63  }
0x108: {  	s29 =	smov.u32 s28;
	s28 =	smov.u32 s26;
	_ =	swait.ge [sflag:s13], $0x1900  }
0x109: {  	s26 =	smov.u32 s25;
	s25 =	smov.u32 s24;
	[sflag:s13] =	ssyncset.done $0x0  }
0x10a: {  	s6 =	simm.s32 $0x4B00;
	s4 =	rddreg [dreg:$0x7];
	[sflag:s13] =	ssyncadd.s32 $0xFFFFE700  }
0x10b: {  	[hbm4b:s4+s2] =	stream.linear.scatter [tilespmem:s6], [sflag:$0x6], $0x1900, $0x38;
	[tilespmem:$0x6400] =	vst v63  }
0x10c: {  	s24 =	smov.u32 s23;
	s23 =	smov.u32 s22;
	s22 =	rddreg [dreg:$0x8]  }
0x10d: {  	[tilespmem:s10], [sflag:$0x2] =	stream.linear.gather [hbm4b:s22+s2], $0x1900, $0x38;
	[tilespmem:$0x6400] =	vst v63  }
0x10e: {  	_ =	swait.ge [sflag:s31], $0x1900  }
0x10f: {  	[sflag:s31] =	ssyncset.done $0x0  }
0x110: {  	[sflag:s31] =	ssyncadd.s32 $0xFFFFE700  }
0x111: {  	_ =	swait.ge [sflag:s15], $0x1900  }
0x112: {  	[sflag:s15] =	ssyncset.done $0x0  }
0x113: {  	[sflag:s15] =	ssyncadd.s32 $0xFFFFE700  }
0x114: {  	[tilespmem:s6], [sflag:$0x4] =	stream.indirect.gather [hbm4b:s3+s10], $0x1, s10, s10, $0xb8;
	[tilespmem:$0x6400] =	vst v63  }
0x115: {  	_ =	swait.ge [sflag:s14], $0x1900  }
0x116: {  	[sflag:s14] =	ssyncset.done $0x0  }
0x117: {  	s4 =	rddreg [dreg:$0x9];
	[sflag:s14] =	ssyncadd.s32 $0xFFFFE700  }
0x118: {  	[hbm4b:s4+s2] =	stream.linear.scatter [tilespmem:s9], [sflag:$0x5], $0x1900, $0x38;
	[tilespmem:$0x6400] =	vst v63  }
0x119: {  	s22 =	rddreg [dreg:$0xa]  }
0x11a: {  	[tilespmem:s2], [sflag:$0x1] =	stream.linear.gather [hbm4b:s22+s2], $0x1900, $0x38;
	[tilespmem:$0x6400] =	vst v63  }
0x11b: {  	_ =	swait.ge [sflag:s8], $0x1900  }
0x11c: {  	[sflag:s8] =	ssyncset.done $0x0  }
0x11d: {  	[sflag:s8] =	ssyncadd.s32 $0xFFFFE700  }
0x11e: {  	_ =	swait.ge [sflag:s18], $0x1900  }
0x11f: {  	[sflag:s18] =	ssyncset.done $0x0  }
0x120: {  	[sflag:s18] =	ssyncadd.s32 $0xFFFFE700  }
0x121: {  	[tilespmem:s9], [sflag:$0x3] =	stream.indirect.gather [hbm4b:s3+s10], $0x1, s2, s10, $0xb8;
	[tilespmem:$0x6400] =	vst v63  }
0x122: {  	_ =	swait.ge [sflag:s13], $0x1900  }
0x123: {  	[sflag:s13] =	ssyncset.done $0x0  }
0x124: {  	s4 =	rddreg [dreg:$0xb];
	[sflag:s13] =	ssyncadd.s32 $0xFFFFE700  }
0x125: {  	[hbm4b:s4+s2] =	stream.linear.scatter [tilespmem:s6], [sflag:$0x6], $0x1900, $0x38;
	[tilespmem:$0x6400] =	vst v63  }
0x126: {  	s22 =	rddreg [dreg:$0xc]  }
0x127: {  	[tilespmem:s10], [sflag:$0x2] =	stream.linear.gather [hbm4b:s22+s2], $0x1900, $0x38;
	[tilespmem:$0x6400] =	vst v63  }
0x128: {  	_ =	swait.ge [sflag:s31], $0x1900  }
0x129: {  	[sflag:s31] =	ssyncset.done $0x0  }
0x12a: {  	[sflag:s31] =	ssyncadd.s32 $0xFFFFE700  }
0x12b: {  	_ =	swait.ge [sflag:s15], $0x1900  }
0x12c: {  	[sflag:s15] =	ssyncset.done $0x0  }
0x12d: {  	[sflag:s15] =	ssyncadd.s32 $0xFFFFE700  }
0x12e: {  	[tilespmem:s6], [sflag:$0x4] =	stream.indirect.gather [hbm4b:s3+s10], $0x1, s10, s10, $0xb8;
	[tilespmem:$0x6400] =	vst v63  }
0x12f: {  	_ =	swait.ge [sflag:s14], $0x1900  }
0x130: {  	[sflag:s14] =	ssyncset.done $0x0  }
0x131: {  	s6 =	rddreg [dreg:$0xd];
	[sflag:s14] =	ssyncadd.s32 $0xFFFFE700  }
0x132: {  	[hbm4b:s6+s2] =	stream.linear.scatter [tilespmem:s9], [sflag:$0x5], $0x1900, $0x38;
	[tilespmem:$0x6400] =	vst v63  }
0x133: {  	s22 =	rddreg [dreg:$0xe]  }
0x134: {  	[tilespmem:s2], [sflag:$0x1] =	stream.linear.gather [hbm4b:s22+s2], $0x1900, $0x38;
	[tilespmem:$0x6400] =	vst v63  }
0x135: {  	_ =	swait.ge [sflag:s8], $0x1900  }
0x136: {  	[sflag:s8] =	ssyncset.done $0x0  }
0x137: {  	[sflag:s8] =	ssyncadd.s32 $0xFFFFE700  }
0x138: {  	_ =	swait.ge [sflag:s18], $0x1900  }
0x139: {  	[sflag:s18] =	ssyncset.done $0x0  }
0x13a: {  	[sflag:s18] =	ssyncadd.s32 $0xFFFFE700  }
0x13b: {  	[tilespmem:s9], [sflag:$0x3] =	stream.indirect.gather [hbm4b:s3+s10], $0x1, s2, s10, $0xb8;
	[tilespmem:$0x6400] =	vst v63  }
0x13c: {  	_ =	swait.ge [sflag:s13], $0x1900  }
0x13d: {  	s4 =	rddreg [dreg:$0xf];
	[sflag:s13] =	ssyncset.done $0x0  }
0x13e: {  	s9 =	simm.s32 $0x4B00;
	s6 =	rddreg [dreg:$0x10];
	[sflag:s13] =	ssyncadd.s32 $0xFFFFE700  }
0x13f: {  	[hbm4b:s4+s2] =	stream.linear.scatter [tilespmem:s9], [sflag:$0x6], $0x1900, $0x38;
	[tilespmem:$0x6400] =	vst v63  }
0x140: {  	s0 =	smov.u32 s5;
	s5 =	smov.u32 s11;
	s11 =	rddreg [dreg:$0x12]  }
0x141: {  	[tilespmem:s10], [sflag:$0x2] =	stream.linear.gather [hbm4b:s6+s2], $0x1900, $0x38;
	[tilespmem:$0x6400] =	vst v63  }
0x142: {  	s4 =	rddreg [dreg:$0x11];
	_ =	swait.ge [sflag:s31], $0x1900  }
0x143: {  	[sflag:s31] =	ssyncset.done $0x0  }
0x144: {  	[sflag:s31] =	ssyncadd.s32 $0xFFFFE700  }
0x145: {  	_ =	swait.ge [sflag:s15], $0x1900  }
0x146: {  	s22 =	smov.u32 s23;
	[sflag:s15] =	ssyncset.done $0x0  }
0x147: {  	s23 =	smov.u32 s24;
	s24 =	smov.u32 s25;
	[sflag:s15] =	ssyncadd.s32 $0xFFFFE700  }
0x148: {  	[tilespmem:s9], [sflag:$0x4] =	stream.indirect.gather [hbm4b:s3+s10], $0x1, s10, s10, $0xb8;
	[tilespmem:$0x6400] =	vst v63  }
0x149: {  	s25 =	smov.u32 s26;
	s26 =	smov.u32 s28;
	_ =	swait.ge [sflag:s14], $0x1900  }
0x14a: {  	s28 =	smov.u32 s29;
	s29 =	smov.u32 s30;
	[sflag:s14] =	ssyncset.done $0x0  }
0x14b: {  	s30 =	smov.u32 s7;
	s7 =	simm.s32 $0x3200;
	[sflag:s14] =	ssyncadd.s32 $0xFFFFE700  }
0x14c: {  	[hbm4b:s30+s2] =	stream.linear.scatter [tilespmem:s7], [sflag:$0x5], $0x1900, $0x38;
	[tilespmem:$0x6400] =	vst v63  }
0x14d: {  	_ = 	snop  }
0x14e: {  	[tilespmem:s2], [sflag:$0x1] =	stream.linear.gather [hbm4b:s4+s2], $0x1900, $0x38;
	[tilespmem:$0x6400] =	vst v63  }
0x14f: {  	_ =	swait.ge [sflag:s8], $0x1900  }
0x150: {  	[sflag:s8] =	ssyncset.done $0x0  }
0x151: {  	[sflag:s8] =	ssyncadd.s32 $0xFFFFE700  }
0x152: {  	_ =	swait.ge [sflag:s18], $0x1900  }
0x153: {  	[sflag:s18] =	ssyncset.done $0x0  }
0x154: {  	[sflag:s18] =	ssyncadd.s32 $0xFFFFE700  }
0x155: {  	[tilespmem:s7], [sflag:$0x3] =	stream.indirect.gather [hbm4b:s3+s10], $0x1, s2, s10, $0xb8;
	[tilespmem:$0x6400] =	vst v63  }
0x156: {  	_ =	swait.ge [sflag:s13], $0x1900  }
0x157: {  	[sflag:s13] =	ssyncset.done $0x0  }
0x158: {  	[sflag:s13] =	ssyncadd.s32 $0xFFFFE700  }
0x159: {  	[hbm4b:s28+s2] =	stream.linear.scatter [tilespmem:s9], [sflag:$0x6], $0x1900, $0x38;
	[tilespmem:$0x6400] =	vst v63  }
0x15a: {  	_ = 	snop  }
0x15b: {  	[tilespmem:s10], [sflag:$0x2] =	stream.linear.gather [hbm4b:s29+s2], $0x1900, $0x38;
	[tilespmem:$0x6400] =	vst v63  }
0x15c: {  	_ =	swait.ge [sflag:s31], $0x1900  }
0x15d: {  	[sflag:s31] =	ssyncset.done $0x0  }
0x15e: {  	[sflag:s31] =	ssyncadd.s32 $0xFFFFE700  }
0x15f: {  	_ =	swait.ge [sflag:s15], $0x1900  }
0x160: {  	[sflag:s15] =	ssyncset.done $0x0  }
0x161: {  	[sflag:s15] =	ssyncadd.s32 $0xFFFFE700  }
0x162: {  	[tilespmem:s9], [sflag:$0x4] =	stream.indirect.gather [hbm4b:s3+s10], $0x1, s10, s10, $0xb8;
	[tilespmem:$0x6400] =	vst v63  }
0x163: {  	_ =	swait.ge [sflag:s14], $0x1900  }
0x164: {  	[sflag:s14] =	ssyncset.done $0x0  }
0x165: {  	[sflag:s14] =	ssyncadd.s32 $0xFFFFE700  }
0x166: {  	[hbm4b:s25+s2] =	stream.linear.scatter [tilespmem:s7], [sflag:$0x5], $0x1900, $0x38;
	[tilespmem:$0x6400] =	vst v63  }
0x167: {  	_ = 	snop  }
0x168: {  	[tilespmem:s2], [sflag:$0x1] =	stream.linear.gather [hbm4b:s26+s2], $0x1900, $0x38;
	[tilespmem:$0x6400] =	vst v63  }
0x169: {  	_ =	swait.ge [sflag:s8], $0x1900  }
0x16a: {  	[sflag:s8] =	ssyncset.done $0x0  }
0x16b: {  	[sflag:s8] =	ssyncadd.s32 $0xFFFFE700  }
0x16c: {  	_ =	swait.ge [sflag:s18], $0x1900  }
0x16d: {  	[sflag:s18] =	ssyncset.done $0x0  }
0x16e: {  	[sflag:s18] =	ssyncadd.s32 $0xFFFFE700  }
0x16f: {  	[tilespmem:s7], [sflag:$0x3] =	stream.indirect.gather [hbm4b:s3+s10], $0x1, s2, s10, $0xb8;
	[tilespmem:$0x6400] =	vst v63  }
0x170: {  	_ =	swait.ge [sflag:s13], $0x1900  }
0x171: {  	[sflag:s13] =	ssyncset.done $0x0  }
0x172: {  	[sflag:s13] =	ssyncadd.s32 $0xFFFFE700  }
0x173: {  	[hbm4b:s23+s2] =	stream.linear.scatter [tilespmem:s9], [sflag:$0x6], $0x1900, $0x38;
	[tilespmem:$0x6400] =	vst v63  }
0x174: {  	_ = 	snop  }
0x175: {  	[tilespmem:s10], [sflag:$0x2] =	stream.linear.gather [hbm4b:s24+s2], $0x1900, $0x38;
	[tilespmem:$0x6400] =	vst v63  }
0x176: {  	_ =	swait.ge [sflag:s31], $0x1900  }
0x177: {  	[sflag:s31] =	ssyncset.done $0x0  }
0x178: {  	[sflag:s31] =	ssyncadd.s32 $0xFFFFE700  }
0x179: {  	_ =	swait.ge [sflag:s15], $0x1900  }
0x17a: {  	[sflag:s15] =	ssyncset.done $0x0  }
0x17b: {  	[sflag:s15] =	ssyncadd.s32 $0xFFFFE700  }
0x17c: {  	[tilespmem:s9], [sflag:$0x4] =	stream.indirect.gather [hbm4b:s3+s10], $0x1, s10, s10, $0xb8;
	[tilespmem:$0x6400] =	vst v63  }
0x17d: {  	_ =	swait.ge [sflag:s14], $0x1900  }
0x17e: {  	[sflag:s14] =	ssyncset.done $0x0  }
0x17f: {  	[sflag:s14] =	ssyncadd.s32 $0xFFFFE700  }
0x180: {  	[hbm4b:s21+s2] =	stream.linear.scatter [tilespmem:s7], [sflag:$0x5], $0x1900, $0x38;
	[tilespmem:$0x6400] =	vst v63  }
0x181: {  	_ = 	snop  }
0x182: {  	[tilespmem:s2], [sflag:$0x1] =	stream.linear.gather [hbm4b:s22+s2], $0x1900, $0x38;
	[tilespmem:$0x6400] =	vst v63  }
0x183: {  	_ =	swait.ge [sflag:s8], $0x1900  }
0x184: {  	[sflag:s8] =	ssyncset.done $0x0  }
0x185: {  	[sflag:s8] =	ssyncadd.s32 $0xFFFFE700  }
0x186: {  	_ =	swait.ge [sflag:s18], $0x1900  }
0x187: {  	[sflag:s18] =	ssyncset.done $0x0  }
0x188: {  	[sflag:s18] =	ssyncadd.s32 $0xFFFFE700  }
0x189: {  	[tilespmem:s7], [sflag:$0x3] =	stream.indirect.gather [hbm4b:s3+s10], $0x1, s2, s10, $0xb8;
	[tilespmem:$0x6400] =	vst v63  }
0x18a: {  	_ =	swait.ge [sflag:s13], $0x1900  }
0x18b: {  	[sflag:s13] =	ssyncset.done $0x0  }
0x18c: {  	[sflag:s13] =	ssyncadd.s32 $0xFFFFE700  }
0x18d: {  	[hbm4b:s11+s2] =	stream.linear.scatter [tilespmem:s9], [sflag:$0x6], $0x1900, $0x38;
	[tilespmem:$0x6400] =	vst v63  }
0x18e: {  	_ = 	snop  }
0x18f: {  	[tilespmem:s10], [sflag:$0x2] =	stream.linear.gather [hbm4b:s20+s2], $0x1900, $0x38;
	[tilespmem:$0x6400] =	vst v63  }
0x190: {  	_ =	swait.ge [sflag:s31], $0x1900  }
0x191: {  	[sflag:s31] =	ssyncset.done $0x0  }
0x192: {  	[sflag:s31] =	ssyncadd.s32 $0xFFFFE700  }
0x193: {  	_ =	swait.ge [sflag:s15], $0x1900  }
0x194: {  	[sflag:s15] =	ssyncset.done $0x0  }
0x195: {  	[sflag:s15] =	ssyncadd.s32 $0xFFFFE700  }
0x196: {  	[tilespmem:s9], [sflag:$0x4] =	stream.indirect.gather [hbm4b:s3+s10], $0x1, s10, s10, $0xb8;
	[tilespmem:$0x6400] =	vst v63  }
0x197: {  	_ =	swait.ge [sflag:s14], $0x1900  }
0x198: {  	[sflag:s14] =	ssyncset.done $0x0  }
0x199: {  	s6 =	smov.u32 s12;
	s12 =	smov.u32 s17;
	[sflag:s14] =	ssyncadd.s32 $0xFFFFE700  }
0x19a: {  	[hbm4b:s12+s2] =	stream.linear.scatter [tilespmem:s7], [sflag:$0x5], $0x1900, $0x38;
	[tilespmem:$0x6400] =	vst v63  }
0x19b: {  	_ = 	snop  }
0x19c: {  	[tilespmem:s2], [sflag:$0x1] =	stream.linear.gather [hbm4b:s19+s2], $0x1900, $0x38;
	[tilespmem:$0x6400] =	vst v63  }
0x19d: {  	_ =	swait.ge [sflag:s8], $0x1900  }
0x19e: {  	[sflag:s8] =	ssyncset.done $0x0  }
0x19f: {  	[sflag:s8] =	ssyncadd.s32 $0xFFFFE700  }
0x1a0: {  	_ =	swait.ge [sflag:s18], $0x1900  }
0x1a1: {  	[sflag:s18] =	ssyncset.done $0x0  }
0x1a2: {  	[sflag:s18] =	ssyncadd.s32 $0xFFFFE700  }
0x1a3: {  	[tilespmem:s7], [sflag:$0x3] =	stream.indirect.gather [hbm4b:s3+s10], $0x1, s2, s10, $0xb8;
	[tilespmem:$0x6400] =	vst v63  }
0x1a4: {  	_ =	swait.ge [sflag:s13], $0x1900  }
0x1a5: {  	[sflag:s13] =	ssyncset.done $0x0  }
0x1a6: {  	[sflag:s13] =	ssyncadd.s32 $0xFFFFE700  }
0x1a7: {  	[hbm4b:s6+s2] =	stream.linear.scatter [tilespmem:s9], [sflag:$0x6], $0x1900, $0x38;
	[tilespmem:$0x6400] =	vst v63  }
0x1a8: {  	_ = 	snop  }
0x1a9: {  	[tilespmem:s10], [sflag:$0x2] =	stream.linear.gather [hbm4b:s16+s2], $0x1900, $0x38;
	[tilespmem:$0x6400] =	vst v63  }
0x1aa: {  	_ =	swait.ge [sflag:s31], $0x1900  }
0x1ab: {  	[sflag:s31] =	ssyncset.done $0x0  }
0x1ac: {  	[sflag:s31] =	ssyncadd.s32 $0xFFFFE700  }
0x1ad: {  	_ =	swait.ge [sflag:s15], $0x1900  }
0x1ae: {  	[sflag:s15] =	ssyncset.done $0x0  }
0x1af: {  	[sflag:s15] =	ssyncadd.s32 $0xFFFFE700  }
0x1b0: {  	[tilespmem:s9], [sflag:$0x4] =	stream.indirect.gather [hbm4b:s3+s10], $0x1, s10, s10, $0xb8;
	[tilespmem:$0x6400] =	vst v63  }
0x1b1: {  	_ =	swait.ge [sflag:s14], $0x1900  }
0x1b2: {  	[sflag:s14] =	ssyncset.done $0x0  }
0x1b3: {  	[sflag:s14] =	ssyncadd.s32 $0xFFFFE700  }
0x1b4: {  	[hbm4b:s5+s2] =	stream.linear.scatter [tilespmem:s7], [sflag:$0x5], $0x1900, $0x38;
	[tilespmem:$0x6400] =	vst v63  }
0x1b5: {  	_ =	swait.ge [sflag:s13], $0x1900  }
0x1b6: {  	[sflag:s13] =	ssyncset.done $0x0  }
0x1b7: {  	p1 =	sne.s32 s1, $0x1;
	[sflag:s13] =	ssyncadd.s32 $0xFFFFE700  }
0x1b8: {  	[hbm4b:s0+s2] =	stream.linear.scatter [tilespmem:s9], [sflag:$0x6], $0x1900, $0x38;
	[tilespmem:$0x6400] =	vst v63  }
.Ltmp2:
0x1b9: {  	_ =	swait.ge [sflag:s8], $0x1900;
	(pc) =	sbr.rel @p1 .LBB2_2-.Ltmp2, $4  }
0x1ba: {  	[sflag:s8] =	ssyncset.done $0x0  }
0x1bb: {  	s1 =	sadd.s32 $0xFFFFFFFF, s1;
	s17 =	smov.u32 s12;
	[sflag:s8] =	ssyncadd.s32 $0xFFFFE700  }
0x1bc: {  	s11 =	smov.u32 s5;
	s12 =	smov.u32 s6;
	_ =	swait.ge [sflag:s31], $0x1900  }
0x1bd: {  	s5 =	smov.u32 s0;
	s0 =	rddreg [dreg:$0x3];
	[sflag:s31] =	ssyncset.done $0x0  }
.LBB2_3:
0x1be: {  	[sflag:s31] =	ssyncadd.s32 @p0 $0xFFFFE700  }
0x1bf: {  	[tilespmem:s2], [sflag:$0x1] =	stream.linear.gather [hbm4b:s0+s2], $0x1900, $0x38;
	[tilespmem:$0x6400] =	vst v63  }
0x1c0: {  	_ =	swait.ge [sflag:s18], $0x1900  }
0x1c1: {  	[sflag:s18] =	ssyncset.done $0x0  }
0x1c2: {  	[sflag:s18] =	ssyncadd.s32 $0xFFFFE700  }
0x1c3: {  	[tilespmem:s7], [sflag:$0x3] =	stream.indirect.gather [hbm4b:s3+s10], $0x1, s2, s10, $0xb8;
	[tilespmem:$0x6400] =	vst v63  }
0x1c4: {  	s1 =	rddreg [dreg:$0x4]  }
0x1c5: {  	[tilespmem:s10], [sflag:$0x2] =	stream.linear.gather [hbm4b:s1+s2], $0x1900, $0x38;
	[tilespmem:$0x6400] =	vst v63  }
0x1c6: {  	_ =	swait.ge [sflag:s15], $0x1900  }
0x1c7: {  	[sflag:s15] =	ssyncset.done $0x0  }
0x1c8: {  	[sflag:s15] =	ssyncadd.s32 $0xFFFFE700  }
0x1c9: {  	[tilespmem:s9], [sflag:$0x4] =	stream.indirect.gather [hbm4b:s3+s10], $0x1, s10, s10, $0xb8;
	[tilespmem:$0x6400] =	vst v63  }
0x1ca: {  	_ =	swait.ge [sflag:s14], $0x1900  }
0x1cb: {  	[sflag:s14] =	ssyncset.done $0x0  }
0x1cc: {  	s6 =	rddreg [dreg:$0x5];
	[sflag:s14] =	ssyncadd.s32 $0xFFFFE700  }
0x1cd: {  	[hbm4b:s6+s2] =	stream.linear.scatter [tilespmem:s7], [sflag:$0x5], $0x1900, $0x38;
	[tilespmem:$0x6400] =	vst v63  }
0x1ce: {  	s1 =	rddreg [dreg:$0x6]  }
0x1cf: {  	[tilespmem:s2], [sflag:$0x1] =	stream.linear.gather [hbm4b:s1+s2], $0x1900, $0x38;
	[tilespmem:$0x6400] =	vst v63  }
0x1d0: {  	_ =	swait.ge [sflag:s8], $0x1900  }
0x1d1: {  	[sflag:s8] =	ssyncset.done $0x0  }
0x1d2: {  	[sflag:s8] =	ssyncadd.s32 $0xFFFFE700  }
0x1d3: {  	_ =	swait.ge [sflag:s18], $0x1900  }
0x1d4: {  	[sflag:s18] =	ssyncset.done $0x0  }
0x1d5: {  	[sflag:s18] =	ssyncadd.s32 $0xFFFFE700  }
0x1d6: {  	[tilespmem:s7], [sflag:$0x3] =	stream.indirect.gather [hbm4b:s3+s10], $0x1, s2, s10, $0xb8;
	[tilespmem:$0x6400] =	vst v63  }
0x1d7: {  	_ =	swait.ge [sflag:s13], $0x1900  }
0x1d8: {  	[sflag:s13] =	ssyncset.done $0x0  }
0x1d9: {  	s1 =	rddreg [dreg:$0x7];
	[sflag:s13] =	ssyncadd.s32 $0xFFFFE700  }
0x1da: {  	[hbm4b:s1+s2] =	stream.linear.scatter [tilespmem:s9], [sflag:$0x6], $0x1900, $0x38;
	[tilespmem:$0x6400] =	vst v63  }
0x1db: {  	s6 =	rddreg [dreg:$0x8]  }
0x1dc: {  	[tilespmem:s10], [sflag:$0x2] =	stream.linear.gather [hbm4b:s6+s2], $0x1900, $0x38;
	[tilespmem:$0x6400] =	vst v63  }
0x1dd: {  	_ =	swait.ge [sflag:s31], $0x1900  }
0x1de: {  	[sflag:s31] =	ssyncset.done $0x0  }
0x1df: {  	[sflag:s31] =	ssyncadd.s32 $0xFFFFE700  }
0x1e0: {  	_ =	swait.ge [sflag:s15], $0x1900  }
0x1e1: {  	[sflag:s15] =	ssyncset.done $0x0  }
0x1e2: {  	[sflag:s15] =	ssyncadd.s32 $0xFFFFE700  }
0x1e3: {  	[tilespmem:s9], [sflag:$0x4] =	stream.indirect.gather [hbm4b:s3+s10], $0x1, s10, s10, $0xb8;
	[tilespmem:$0x6400] =	vst v63  }
0x1e4: {  	_ =	swait.ge [sflag:s14], $0x1900  }
0x1e5: {  	[sflag:s14] =	ssyncset.done $0x0  }
0x1e6: {  	s1 =	rddreg [dreg:$0x9];
	[sflag:s14] =	ssyncadd.s32 $0xFFFFE700  }
0x1e7: {  	[hbm4b:s1+s2] =	stream.linear.scatter [tilespmem:s7], [sflag:$0x5], $0x1900, $0x38;
	[tilespmem:$0x6400] =	vst v63  }
0x1e8: {  	s6 =	rddreg [dreg:$0xa]  }
0x1e9: {  	[tilespmem:s2], [sflag:$0x1] =	stream.linear.gather [hbm4b:s6+s2], $0x1900, $0x38;
	[tilespmem:$0x6400] =	vst v63  }
0x1ea: {  	_ =	swait.ge [sflag:s8], $0x1900  }
0x1eb: {  	[sflag:s8] =	ssyncset.done $0x0  }
0x1ec: {  	[sflag:s8] =	ssyncadd.s32 $0xFFFFE700  }
0x1ed: {  	_ =	swait.ge [sflag:s18], $0x1900  }
0x1ee: {  	[sflag:s18] =	ssyncset.done $0x0  }
0x1ef: {  	[sflag:s18] =	ssyncadd.s32 $0xFFFFE700  }
0x1f0: {  	[tilespmem:s7], [sflag:$0x3] =	stream.indirect.gather [hbm4b:s3+s10], $0x1, s2, s10, $0xb8;
	[tilespmem:$0x6400] =	vst v63  }
0x1f1: {  	_ =	swait.ge [sflag:s13], $0x1900  }
0x1f2: {  	[sflag:s13] =	ssyncset.done $0x0  }
0x1f3: {  	s1 =	rddreg [dreg:$0xb];
	[sflag:s13] =	ssyncadd.s32 $0xFFFFE700  }
0x1f4: {  	[hbm4b:s1+s2] =	stream.linear.scatter [tilespmem:s9], [sflag:$0x6], $0x1900, $0x38;
	[tilespmem:$0x6400] =	vst v63  }
0x1f5: {  	s6 =	rddreg [dreg:$0xc]  }
0x1f6: {  	[tilespmem:s10], [sflag:$0x2] =	stream.linear.gather [hbm4b:s6+s2], $0x1900, $0x38;
	[tilespmem:$0x6400] =	vst v63  }
0x1f7: {  	_ =	swait.ge [sflag:s31], $0x1900  }
0x1f8: {  	[sflag:s31] =	ssyncset.done $0x0  }
0x1f9: {  	[sflag:s31] =	ssyncadd.s32 $0xFFFFE700  }
0x1fa: {  	_ =	swait.ge [sflag:s15], $0x1900  }
0x1fb: {  	[sflag:s15] =	ssyncset.done $0x0  }
0x1fc: {  	[sflag:s15] =	ssyncadd.s32 $0xFFFFE700  }
0x1fd: {  	[tilespmem:s9], [sflag:$0x4] =	stream.indirect.gather [hbm4b:s3+s10], $0x1, s10, s10, $0xb8;
	[tilespmem:$0x6400] =	vst v63  }
0x1fe: {  	_ =	swait.ge [sflag:s14], $0x1900  }
0x1ff: {  	[sflag:s14] =	ssyncset.done $0x0  }
0x200: {  	s1 =	rddreg [dreg:$0xd];
	[sflag:s14] =	ssyncadd.s32 $0xFFFFE700  }
0x201: {  	[hbm4b:s1+s2] =	stream.linear.scatter [tilespmem:s7], [sflag:$0x5], $0x1900, $0x38;
	[tilespmem:$0x6400] =	vst v63  }
0x202: {  	s6 =	rddreg [dreg:$0xe]  }
0x203: {  	[tilespmem:s2], [sflag:$0x1] =	stream.linear.gather [hbm4b:s6+s2], $0x1900, $0x38;
	[tilespmem:$0x6400] =	vst v63  }
0x204: {  	_ =	swait.ge [sflag:s8], $0x1900  }
0x205: {  	[sflag:s8] =	ssyncset.done $0x0  }
0x206: {  	[sflag:s8] =	ssyncadd.s32 $0xFFFFE700  }
0x207: {  	_ =	swait.ge [sflag:s18], $0x1900  }
0x208: {  	[sflag:s18] =	ssyncset.done $0x0  }
0x209: {  	[sflag:s18] =	ssyncadd.s32 $0xFFFFE700  }
0x20a: {  	[tilespmem:s7], [sflag:$0x3] =	stream.indirect.gather [hbm4b:s3+s10], $0x1, s2, s10, $0xb8;
	[tilespmem:$0x6400] =	vst v63  }
0x20b: {  	_ =	swait.ge [sflag:s13], $0x1900  }
0x20c: {  	[sflag:s13] =	ssyncset.done $0x0  }
0x20d: {  	s1 =	rddreg [dreg:$0xf];
	[sflag:s13] =	ssyncadd.s32 $0xFFFFE700  }
0x20e: {  	[hbm4b:s1+s2] =	stream.linear.scatter [tilespmem:s9], [sflag:$0x6], $0x1900, $0x38;
	[tilespmem:$0x6400] =	vst v63  }
0x20f: {  	s6 =	rddreg [dreg:$0x10]  }
0x210: {  	[tilespmem:s10], [sflag:$0x2] =	stream.linear.gather [hbm4b:s6+s2], $0x1900, $0x38;
	[tilespmem:$0x6400] =	vst v63  }
0x211: {  	_ =	swait.ge [sflag:s31], $0x1900  }
0x212: {  	[sflag:s31] =	ssyncset.done $0x0  }
0x213: {  	[sflag:s31] =	ssyncadd.s32 $0xFFFFE700  }
0x214: {  	_ =	swait.ge [sflag:s15], $0x1900  }
0x215: {  	[sflag:s15] =	ssyncset.done $0x0  }
0x216: {  	[sflag:s15] =	ssyncadd.s32 $0xFFFFE700  }
0x217: {  	[tilespmem:s9], [sflag:$0x4] =	stream.indirect.gather [hbm4b:s3+s10], $0x1, s10, s10, $0xb8;
	[tilespmem:$0x6400] =	vst v63  }
0x218: {  	_ =	swait.ge [sflag:s14], $0x1900  }
0x219: {  	[sflag:s14] =	ssyncset.done $0x0  }
0x21a: {  	[sflag:s14] =	ssyncadd.s32 $0xFFFFE700  }
0x21b: {  	[hbm4b:s30+s2] =	stream.linear.scatter [tilespmem:s7], [sflag:$0x5], $0x1900, $0x38;
	[tilespmem:$0x6400] =	vst v63  }
0x21c: {  	_ = 	snop  }
0x21d: {  	[tilespmem:s2], [sflag:$0x1] =	stream.linear.gather [hbm4b:s4+s2], $0x1900, $0x38;
	[tilespmem:$0x6400] =	vst v63  }
0x21e: {  	_ =	swait.ge [sflag:s8], $0x1900  }
0x21f: {  	[sflag:s8] =	ssyncset.done $0x0  }
0x220: {  	[sflag:s8] =	ssyncadd.s32 $0xFFFFE700  }
0x221: {  	_ =	swait.ge [sflag:s18], $0x1900  }
0x222: {  	[sflag:s18] =	ssyncset.done $0x0  }
0x223: {  	[sflag:s18] =	ssyncadd.s32 $0xFFFFE700  }
0x224: {  	[tilespmem:s7], [sflag:$0x3] =	stream.indirect.gather [hbm4b:s3+s10], $0x1, s2, s10, $0xb8;
	[tilespmem:$0x6400] =	vst v63  }
0x225: {  	_ =	swait.ge [sflag:s13], $0x1900  }
0x226: {  	[sflag:s13] =	ssyncset.done $0x0  }
0x227: {  	[sflag:s13] =	ssyncadd.s32 $0xFFFFE700  }
0x228: {  	[hbm4b:s28+s2] =	stream.linear.scatter [tilespmem:s9], [sflag:$0x6], $0x1900, $0x38;
	[tilespmem:$0x6400] =	vst v63  }
0x229: {  	_ = 	snop  }
0x22a: {  	[tilespmem:s10], [sflag:$0x2] =	stream.linear.gather [hbm4b:s29+s2], $0x1900, $0x38;
	[tilespmem:$0x6400] =	vst v63  }
0x22b: {  	_ =	swait.ge [sflag:s31], $0x1900  }
0x22c: {  	[sflag:s31] =	ssyncset.done $0x0  }
0x22d: {  	[sflag:s31] =	ssyncadd.s32 $0xFFFFE700  }
0x22e: {  	_ =	swait.ge [sflag:s15], $0x1900  }
0x22f: {  	[sflag:s15] =	ssyncset.done $0x0  }
0x230: {  	[sflag:s15] =	ssyncadd.s32 $0xFFFFE700  }
0x231: {  	[tilespmem:s9], [sflag:$0x4] =	stream.indirect.gather [hbm4b:s3+s10], $0x1, s10, s10, $0xb8;
	[tilespmem:$0x6400] =	vst v63  }
0x232: {  	_ =	swait.ge [sflag:s14], $0x1900  }
0x233: {  	[sflag:s14] =	ssyncset.done $0x0  }
0x234: {  	[sflag:s14] =	ssyncadd.s32 $0xFFFFE700  }
0x235: {  	[hbm4b:s25+s2] =	stream.linear.scatter [tilespmem:s7], [sflag:$0x5], $0x1900, $0x38;
	[tilespmem:$0x6400] =	vst v63  }
0x236: {  	_ = 	snop  }
0x237: {  	[tilespmem:s2], [sflag:$0x1] =	stream.linear.gather [hbm4b:s26+s2], $0x1900, $0x38;
	[tilespmem:$0x6400] =	vst v63  }
0x238: {  	_ =	swait.ge [sflag:s8], $0x1900  }
0x239: {  	[sflag:s8] =	ssyncset.done $0x0  }
0x23a: {  	[sflag:s8] =	ssyncadd.s32 $0xFFFFE700  }
0x23b: {  	_ =	swait.ge [sflag:s18], $0x1900  }
0x23c: {  	[sflag:s18] =	ssyncset.done $0x0  }
0x23d: {  	[sflag:s18] =	ssyncadd.s32 $0xFFFFE700  }
0x23e: {  	[tilespmem:s7], [sflag:$0x3] =	stream.indirect.gather [hbm4b:s3+s10], $0x1, s2, s10, $0xb8;
	[tilespmem:$0x6400] =	vst v63  }
0x23f: {  	_ =	swait.ge [sflag:s13], $0x1900  }
0x240: {  	[sflag:s13] =	ssyncset.done $0x0  }
0x241: {  	[sflag:s13] =	ssyncadd.s32 $0xFFFFE700  }
0x242: {  	[hbm4b:s23+s2] =	stream.linear.scatter [tilespmem:s9], [sflag:$0x6], $0x1900, $0x38;
	[tilespmem:$0x6400] =	vst v63  }
0x243: {  	_ = 	snop  }
0x244: {  	[tilespmem:s10], [sflag:$0x2] =	stream.linear.gather [hbm4b:s24+s2], $0x1900, $0x38;
	[tilespmem:$0x6400] =	vst v63  }
0x245: {  	_ =	swait.ge [sflag:s31], $0x1900  }
0x246: {  	[sflag:s31] =	ssyncset.done $0x0  }
0x247: {  	[sflag:s31] =	ssyncadd.s32 $0xFFFFE700  }
0x248: {  	_ =	swait.ge [sflag:s15], $0x1900  }
0x249: {  	[sflag:s15] =	ssyncset.done $0x0  }
0x24a: {  	[sflag:s15] =	ssyncadd.s32 $0xFFFFE700  }
0x24b: {  	[tilespmem:s9], [sflag:$0x4] =	stream.indirect.gather [hbm4b:s3+s10], $0x1, s10, s10, $0xb8;
	[tilespmem:$0x6400] =	vst v63  }
0x24c: {  	_ =	swait.ge [sflag:s14], $0x1900  }
0x24d: {  	[sflag:s14] =	ssyncset.done $0x0  }
0x24e: {  	[sflag:s14] =	ssyncadd.s32 $0xFFFFE700  }
0x24f: {  	[hbm4b:s21+s2] =	stream.linear.scatter [tilespmem:s7], [sflag:$0x5], $0x1900, $0x38;
	[tilespmem:$0x6400] =	vst v63  }
0x250: {  	_ = 	snop  }
0x251: {  	[tilespmem:s2], [sflag:$0x1] =	stream.linear.gather [hbm4b:s22+s2], $0x1900, $0x38;
	[tilespmem:$0x6400] =	vst v63  }
0x252: {  	_ =	swait.ge [sflag:s8], $0x1900  }
0x253: {  	[sflag:s8] =	ssyncset.done $0x0  }
0x254: {  	[sflag:s8] =	ssyncadd.s32 $0xFFFFE700  }
0x255: {  	_ =	swait.ge [sflag:s18], $0x1900  }
0x256: {  	[sflag:s18] =	ssyncset.done $0x0  }
0x257: {  	[sflag:s18] =	ssyncadd.s32 $0xFFFFE700  }
0x258: {  	[tilespmem:s7], [sflag:$0x3] =	stream.indirect.gather [hbm4b:s3+s10], $0x1, s2, s10, $0xb8;
	[tilespmem:$0x6400] =	vst v63  }
0x259: {  	_ =	swait.ge [sflag:s13], $0x1900  }
0x25a: {  	[sflag:s13] =	ssyncset.done $0x0  }
0x25b: {  	s30 =	rddreg [dreg:$0x12];
	[sflag:s13] =	ssyncadd.s32 $0xFFFFE700  }
0x25c: {  	[hbm4b:s30+s2] =	stream.linear.scatter [tilespmem:s9], [sflag:$0x6], $0x1900, $0x38;
	[tilespmem:$0x6400] =	vst v63  }
0x25d: {  	_ = 	snop  }
0x25e: {  	[tilespmem:s10], [sflag:$0x2] =	stream.linear.gather [hbm4b:s20+s2], $0x1900, $0x38;
	[tilespmem:$0x6400] =	vst v63  }
0x25f: {  	_ =	swait.ge [sflag:s31], $0x1900  }
0x260: {  	[sflag:s31] =	ssyncset.done $0x0  }
0x261: {  	[sflag:s31] =	ssyncadd.s32 $0xFFFFE700  }
0x262: {  	_ =	swait.ge [sflag:s15], $0x1900  }
0x263: {  	[sflag:s15] =	ssyncset.done $0x0  }
0x264: {  	[sflag:s15] =	ssyncadd.s32 $0xFFFFE700  }
0x265: {  	[tilespmem:s9], [sflag:$0x4] =	stream.indirect.gather [hbm4b:s3+s10], $0x1, s10, s10, $0xb8;
	[tilespmem:$0x6400] =	vst v63  }
0x266: {  	_ =	swait.ge [sflag:s14], $0x1900  }
0x267: {  	[sflag:s14] =	ssyncset.done $0x0  }
0x268: {  	[sflag:s14] =	ssyncadd.s32 $0xFFFFE700  }
0x269: {  	[hbm4b:s17+s2] =	stream.linear.scatter [tilespmem:s7], [sflag:$0x5], $0x1900, $0x38;
	[tilespmem:$0x6400] =	vst v63  }
0x26a: {  	_ = 	snop  }
0x26b: {  	[tilespmem:s2], [sflag:$0x1] =	stream.linear.gather [hbm4b:s19+s2], $0x1900, $0x38;
	[tilespmem:$0x6400] =	vst v63  }
0x26c: {  	_ =	swait.ge [sflag:s8], $0x1900  }
0x26d: {  	[sflag:s8] =	ssyncset.done $0x0  }
0x26e: {  	[sflag:s8] =	ssyncadd.s32 $0xFFFFE700  }
0x26f: {  	_ =	swait.ge [sflag:s18], $0x1900  }
0x270: {  	[sflag:s18] =	ssyncset.done $0x0  }
0x271: {  	[sflag:s18] =	ssyncadd.s32 $0xFFFFE700  }
0x272: {  	[tilespmem:s7], [sflag:$0x3] =	stream.indirect.gather [hbm4b:s3+s10], $0x1, s2, s10, $0xb8;
	[tilespmem:$0x6400] =	vst v63  }
0x273: {  	_ =	swait.ge [sflag:s13], $0x1900  }
0x274: {  	[sflag:s13] =	ssyncset.done $0x0  }
0x275: {  	[sflag:s13] =	ssyncadd.s32 $0xFFFFE700  }
0x276: {  	[hbm4b:s12+s2] =	stream.linear.scatter [tilespmem:s9], [sflag:$0x6], $0x1900, $0x38;
	[tilespmem:$0x6400] =	vst v63  }
0x277: {  	_ = 	snop  }
0x278: {  	[tilespmem:s10], [sflag:$0x2] =	stream.linear.gather [hbm4b:s16+s2], $0x1900, $0x38;
	[tilespmem:$0x6400] =	vst v63  }
0x279: {  	_ =	swait.ge [sflag:s31], $0x1900  }
0x27a: {  	[sflag:s31] =	ssyncset.done $0x0  }
0x27b: {  	[sflag:s31] =	ssyncadd.s32 $0xFFFFE700  }
0x27c: {  	_ =	swait.ge [sflag:s15], $0x1900  }
0x27d: {  	[sflag:s15] =	ssyncset.done $0x0  }
0x27e: {  	[sflag:s15] =	ssyncadd.s32 $0xFFFFE700  }
0x27f: {  	[tilespmem:s9], [sflag:$0x4] =	stream.indirect.gather [hbm4b:s3+s10], $0x1, s10, s10, $0xb8;
	[tilespmem:$0x6400] =	vst v63  }
0x280: {  	_ =	swait.ge [sflag:s14], $0x1900  }
0x281: {  	[sflag:s14] =	ssyncset.done $0x0  }
0x282: {  	[sflag:s14] =	ssyncadd.s32 $0xFFFFE700  }
0x283: {  	[hbm4b:s11+s2] =	stream.linear.scatter [tilespmem:s7], [sflag:$0x5], $0x1900, $0x38;
	[tilespmem:$0x6400] =	vst v63  }
0x284: {  	_ =	swait.ge [sflag:s13], $0x1900  }
0x285: {  	[sflag:s13] =	ssyncset.done $0x0  }
0x286: {  	[sflag:s13] =	ssyncadd.s32 $0xFFFFE700  }
0x287: {  	[hbm4b:s5+s2] =	stream.linear.scatter [tilespmem:s9], [sflag:$0x6], $0x1900, $0x38;
	[tilespmem:$0x6400] =	vst v63  }
0x288: {  	_ =	swait.ge [sflag:s8], $0x1900  }
0x289: {  	[sflag:s8] =	ssyncset.done $0x0  }
0x28a: {  	[sflag:s8] =	ssyncadd.s32 $0xFFFFE700  }
0x28b: {  	_ =	swait.ge [sflag:s31], $0x1900  }
0x28c: {  	[sflag:s31] =	ssyncset.done $0x0  }
0x28d: {  	[sflag:s31] =	ssyncadd.s32 $0xFFFFE700  }
0x28e: {  	_ =	sfence.sel $0x180000  }
0x28f: {  	[bflag:$0x0] =	sbarrier.arrive $0xFFFF  }
0x290: {  	_ =	strace $0x90000047  }
0x291: {  	s31 =	stileid.u32;
	[bflag:$0x2] =	sbarrier.arrive $0xFFFF  }
0x292: {  	p0 =	sne.s32 s31, $0x0;
	s0 =	rddreg [dreg:$0x2]  }
0x293: {  	s0 =	sadd.s32 @!p0 $0x100000, s0  }
0x294: {  	[sflag:s0] =	ssyncadd.tile.s32 @!p0 $0x1;
	_ =	shalt  }
.Lfunc_end2:
_tile_overlayer_lowered:
.L_overlay_start_2:
0x295: {  	(tag) =	ssettag $0x2  }
0x296: {  	s0 =	rddreg [dreg:$0x0];
	s2 =	stileid.u32  }
0x297: {  	s1 =	rddreg [dreg:$0x1];
	p0 =	sne.s32 s2, $0x0  }
0x298: {  	s3 =	rddreg [dreg:$0x2];
	[bflag:$0x3] =	sbarrier.arrive $0xFFFF;
	s2 =	simm.s32 @!p0 $0x1C07  }
0x299: {  	[timem:s3], [sflag:s2] =	dma.local @!p0 [hbm:s0], s1  }
0x29a: {  	s0 =	simm.s32 @!p0 $0x7  }
0x29b: {  	_ =	swait.ge @!p0 [sflag:s0], s1  }
0x29c: {  	s1 =	ssub.s32 @!p0 $0x0, s1;
	[sflag:s0] =	ssyncset.done @!p0 $0x0  }
0x29d: {  	[sflag:s0] =	ssyncadd.s32 @!p0 s1  }
0x29e: {  	[bflag:$0x3] =	sbarrier.arrive $0xFFFF  }
0x29f: {  	_ =	shalt  }

</sc_bundles>
